<compile_context>
chip_gen: v7x
topology: tpu7x:2x2x1
jax: 0.10.2.dev20260603
libtpu: 0.0.44.dev20260713+nightly
codegen_flags: <defaults>
</compile_context>

<pallas_src>
import functools

import jax
import jax.numpy as jnp
from jax import lax
from jax.experimental import pallas as pl
from jax.experimental.pallas import tpu as pltpu
from jax.experimental.pallas import tpu_sc as plsc

B, N, D = 16, 2048, 64
K = 16
F1 = 128
PB = 256
PE = 256
NBK = N // PB
NBE = N // PE


def _sum_kernel(x_ref, s_ref):
    b = pl.program_id(0)
    s = jnp.sum(x_ref[0], axis=0)

    @pl.when(b == 0)
    def _():
        s_ref[0] = s

    @pl.when(b != 0)
    def _():
        s_ref[0] = s_ref[0] + s


def _var_kernel(x_ref, mean_ref, s_ref):
    b = pl.program_id(0)
    c = x_ref[0] - mean_ref[0][None, :]
    s = jnp.sum(c * c, axis=0)

    @pl.when(b == 0)
    def _():
        s_ref[0] = s

    @pl.when(b != 0)
    def _():
        s_ref[0] = s_ref[0] + s


def _knn_kernel(x_ref, mean_ref, rstd_ref, gam_ref, bet_ref, idx_ref, xnp_ref):
    b = pl.program_id(0)
    j = pl.program_id(1)
    mean = mean_ref[0][None, :]
    rstd = rstd_ref[0][None, :]
    gam = gam_ref[0][None, :]
    bet = bet_ref[0][None, :]
    xn = ((x_ref[0] - mean) * rstd) * gam + bet
    sq = jnp.sum(xn * xn, axis=1)
    xi = ((x_ref[0, pl.ds(j * PB, PB), :] - mean) * rstd) * gam + bet
    sqi = jnp.sum(xi * xi, axis=1)
    inner = lax.dot_general(xi, xn, (((1,), (1,)), ((), ())))
    d = sqi[:, None] - 2.0 * inner + sq[None, :]

    @pl.when(j == 0)
    def _():
        xnp_ref[0] = jnp.concatenate([xn, jnp.zeros_like(xn)], axis=-1)

    iotaf = lax.broadcasted_iota(jnp.int32, (PB, N), 1).astype(jnp.float32)
    base = b * N
    for kk in range(K):
        m = jnp.min(d, axis=1, keepdims=True)
        encf = jnp.where(d <= m, iotaf, jnp.float32(N))
        idxf = jnp.min(encf, axis=1, keepdims=True)
        idx_ref[0, :, kk] = idxf[:, 0].astype(jnp.int32) + base
        d = jnp.where(encf == idxf, jnp.float32(jnp.inf), d)


def _sc_gather(tab2d, idx1d):
    info = plsc.get_sparse_core_info()
    nc, ns = info.num_cores, info.num_subcores
    nw = nc * ns
    w = tab2d.shape[1]
    nf = idx1d.shape[0]
    fpw = nf // nw
    ch = 128
    nch = fpw // ch
    mesh = plsc.VectorSubcoreMesh(core_axis_name="c", subcore_axis_name="s")

    @functools.partial(
        pl.kernel, mesh=mesh,
        out_type=jax.ShapeDtypeStruct((nf, w), jnp.float32),
        scratch_types=[
            pltpu.VMEM((ch,), jnp.int32),
            pltpu.VMEM((ch, w), jnp.float32),
            pltpu.SemaphoreType.DMA,
        ],
    )
    def gk(table_hbm, idx_hbm, out_hbm, idx_v, rows_v, sem):
        wid = lax.axis_index("s") * nc + lax.axis_index("c")
        base = wid * fpw

        def body(c, carry):
            off = base + c * ch
            pltpu.sync_copy(idx_hbm.at[pl.ds(off, ch)], idx_v)
            pltpu.async_copy(table_hbm.at[idx_v], rows_v, sem).wait()
            pltpu.sync_copy(rows_v, out_hbm.at[pl.ds(off, ch)])
            return carry

        lax.fori_loop(0, nch, body, 0)

    return gk(tab2d, idx1d)


def _edge_kernel(xnp_ref, g_ref, w1_ref, b1_ref, w2_ref, b2_ref, w3_ref, b3_ref,
                 vo_ref, pm_ref):
    j = pl.program_id(1)
    xi = xnp_ref[0][:, :D]
    nj = g_ref[0][:, :, :D]
    xib = jnp.broadcast_to(xi[:, None, :], (PE, K, D))
    edge = jnp.concatenate([xib, xib - nj], axis=-1)
    h1 = jax.nn.relu(
        lax.dot_general(edge.reshape(PE * K, F1), w1_ref[...],
                        (((1,), (0,)), ((), ()))) + b1_ref[0][None, :])
    h2 = jax.nn.relu(
        lax.dot_general(h1, w2_ref[...], (((1,), (0,)), ((), ()))) + b2_ref[0][None, :])
    h3 = jax.nn.relu(
        lax.dot_general(h2, w3_ref[...], (((1,), (0,)), ((), ()))) + b3_ref[0][None, :])
    vo = jnp.max(h3.reshape(PE, K, D), axis=1)
    vo_ref[0] = vo
    pm = jnp.max(vo, axis=0)

    @pl.when(j == 0)
    def _():
        pm_ref[0, 0] = pm

    @pl.when(j != 0)
    def _():
        pm_ref[0, 0] = jnp.maximum(pm_ref[0, 0], pm)


def _final_kernel(vo_ref, pm_ref, wg_ref, bg_ref, out_ref):
    g = pm_ref[0, 0]
    cat = jnp.concatenate(
        [vo_ref[0], jnp.broadcast_to(g[None, :], (PE, D))], axis=-1)
    o = lax.dot_general(cat, wg_ref[...], (((1,), (0,)), ((), ())))
    out_ref[0] = jax.nn.relu(o + bg_ref[0][None, :])


def kernel(input_space, bn_gamma, bn_beta, W1, b1, W2, b2, W3, b3, Wg, bg):
    x = input_space
    f32 = jnp.float32

    s1 = pl.pallas_call(
        _sum_kernel,
        grid=(B,),
        in_specs=[pl.BlockSpec((1, N, D), lambda b: (b, 0, 0))],
        out_specs=pl.BlockSpec((1, D), lambda b: (0, 0)),
        out_shape=jax.ShapeDtypeStruct((1, D), f32),
    )(x)
    cnt = float(B * N)
    mean = s1 / cnt
    s2 = pl.pallas_call(
        _var_kernel,
        grid=(B,),
        in_specs=[pl.BlockSpec((1, N, D), lambda b: (b, 0, 0)),
                  pl.BlockSpec((1, D), lambda b: (0, 0))],
        out_specs=pl.BlockSpec((1, D), lambda b: (0, 0)),
        out_shape=jax.ShapeDtypeStruct((1, D), f32),
    )(x, mean)
    var = s2 / cnt
    rstd = 1.0 / jnp.sqrt(var + 1e-5)

    w1T = W1.T
    w2T = W2.T
    w3T = W3.T
    wgT = Wg.T

    gb = 4
    ng = B // gb
    gam2 = bn_gamma[None, :]
    bet2 = bn_beta[None, :]

    knn_outs = []
    for g in range(ng):
        xg = lax.slice_in_dim(x, g * gb, (g + 1) * gb, axis=0)
        idxg, xnp = pl.pallas_call(
            _knn_kernel,
            grid=(gb, NBK),
            in_specs=[
                pl.BlockSpec((1, N, D), lambda b, j: (b, 0, 0)),
                pl.BlockSpec((1, D), lambda b, j: (0, 0)),
                pl.BlockSpec((1, D), lambda b, j: (0, 0)),
                pl.BlockSpec((1, D), lambda b, j: (0, 0)),
                pl.BlockSpec((1, D), lambda b, j: (0, 0)),
            ],
            out_specs=[
                pl.BlockSpec((1, PB, K), lambda b, j: (b, j, 0)),
                pl.BlockSpec((1, N, 2 * D), lambda b, j: (b, 0, 0)),
            ],
            out_shape=[
                jax.ShapeDtypeStruct((gb, N, K), jnp.int32),
                jax.ShapeDtypeStruct((gb, N, 2 * D), f32),
            ],
        )(xg, mean, rstd, gam2, bet2)
        knn_outs.append((idxg, xnp))

    gath_outs = []
    for g in range(ng):
        idxg, xnp = knn_outs[g]
        tab2d = xnp.reshape(gb * N, 2 * D)
        idx1d = idxg.reshape(gb * K * N)
        gath_outs.append(_sc_gather(tab2d, idx1d).reshape(gb, N, K, 2 * D))

    outs = []
    for g in range(ng):
        idxg, xnp = knn_outs[g]
        gath = gath_outs[g]
        vo, pm = pl.pallas_call(
            _edge_kernel,
            grid=(gb, NBE),
            in_specs=[
                pl.BlockSpec((1, PE, 2 * D), lambda b, j: (b, j, 0)),
                pl.BlockSpec((1, PE, K, 2 * D), lambda b, j: (b, j, 0, 0)),
                pl.BlockSpec((F1, F1), lambda b, j: (0, 0)),
                pl.BlockSpec((1, F1), lambda b, j: (0, 0)),
                pl.BlockSpec((F1, D), lambda b, j: (0, 0)),
                pl.BlockSpec((1, D), lambda b, j: (0, 0)),
                pl.BlockSpec((D, D), lambda b, j: (0, 0)),
                pl.BlockSpec((1, D), lambda b, j: (0, 0)),
            ],
            out_specs=[
                pl.BlockSpec((1, PE, D), lambda b, j: (b, j, 0)),
                pl.BlockSpec((1, 1, D), lambda b, j: (b, 0, 0)),
            ],
            out_shape=[
                jax.ShapeDtypeStruct((gb, N, D), f32),
                jax.ShapeDtypeStruct((gb, 1, D), f32),
            ],
        )(xnp, gath, w1T, b1[None, :], w2T, b2[None, :], w3T, b3[None, :])

        outs.append(pl.pallas_call(
            _final_kernel,
            grid=(gb, NBE),
            in_specs=[
                pl.BlockSpec((1, PE, D), lambda b, j: (b, j, 0)),
                pl.BlockSpec((1, 1, D), lambda b, j: (b, 0, 0)),
                pl.BlockSpec((F1, D), lambda b, j: (0, 0)),
                pl.BlockSpec((1, D), lambda b, j: (0, 0)),
            ],
            out_specs=pl.BlockSpec((1, PE, D), lambda b, j: (b, j, 0)),
            out_shape=jax.ShapeDtypeStruct((gb, N, D), f32),
        )(vo, pm, wgT, bg[None, :]))
    return jnp.concatenate(outs, axis=0)

# --- scband reference (transcript-rebuilt; emitter-appended) ---
"""Pipeline reference for scband-edge-conv-43619687858604 (READ-ONLY COPY).

The authoritative reference and input builder live on the scoring server;
editing this copy changes nothing except your own understanding.
"""

import jax, jax.numpy as jnp
import numpy as np

NUM_NEIGHBORS = 16

def gather_neighbours(x, k):
    # x: [B, N, d] -> k nearest neighbours in feature space, gathered: [B, N, k, d]
    xx = jnp.sum(x * x, axis=-1)
    inner = jnp.einsum('bnd,bmd->bnm', x, x)
    dist = xx[:, :, None] - 2.0 * inner + xx[:, None, :]
    _, idx = jax.lax.top_k(-dist, k)  # [B, N, k]
    gathered = jax.vmap(lambda xb, ib: xb[ib])(x, idx)  # [B, N, k, d]
    return gathered

def _lin_init(k1, k2, out_f, in_f):
    s = 1.0 / np.sqrt(in_f)
    W = jax.random.uniform(k1, (out_f, in_f), jnp.float32, -s, s)
    b = jax.random.uniform(k2, (out_f,), jnp.float32, -s, s)
    return W, b

def setup_inputs(seed: int = 0):
    key = jax.random.key(seed)
    ks = jax.random.split(key, 9)
    B, N, d = 16, 2048, 64
    inp = {}
    inp['input_space'] = jax.random.normal(ks[0], (B, N, d), dtype=jnp.float32)
    inp['bn_gamma'] = jnp.ones((d,), jnp.float32)
    inp['bn_beta'] = jnp.zeros((d,), jnp.float32)
    # mlp_layers after insert: [128, 128, 64, 64]
    inp['W1'], inp['b1'] = _lin_init(ks[1], ks[2], 128, 128)
    inp['W2'], inp['b2'] = _lin_init(ks[3], ks[4], 64, 128)
    inp['W3'], inp['b3'] = _lin_init(ks[5], ks[6], 64, 64)
    inp['Wg'], inp['bg'] = _lin_init(ks[7], ks[8], 64, 128)
    return inp

def reference(input_space, bn_gamma, bn_beta, W1, b1, W2, b2, W3, b3, Wg, bg):
    B, N, d = input_space.shape
    # BatchNorm1d in training mode over flattened (B*N, d)
    flat = input_space.reshape(-1, d)
    mean = jnp.mean(flat, axis=0)
    var = jnp.var(flat, axis=0)
    flat = (flat - mean) / jnp.sqrt(var + 1e-5) * bn_gamma + bn_beta
    x = flat.reshape(B, N, d)
    neigh = gather_neighbours(x, NUM_NEIGHBORS)  # [B, N, k, d]
    expanded = jnp.broadcast_to(x[:, :, None, :], (B, N, NUM_NEIGHBORS, d))
    edge = jnp.concatenate([expanded, expanded - neigh], axis=-1)  # [B, N, k, 2d]
    h = jax.nn.relu(edge @ W1.T + b1)
    h = jax.nn.relu(h @ W2.T + b2)
    h = jax.nn.relu(h @ W3.T + b3)
    vertex_out = jnp.max(h, axis=2)  # aggregation over neighbours (torch.max)
    global_summed = jnp.max(vertex_out, axis=1, keepdims=True)
    global_concat = jnp.concatenate([vertex_out, jnp.broadcast_to(global_summed, vertex_out.shape)], axis=-1)
    out = jax.nn.relu(global_concat @ Wg.T + bg)
    return out

if __name__ == "__main__":
    import jax
    _d = setup_inputs()
    print(jax.jit(kernel)(*tuple(_d.values())))

</pallas_src>

<mosaic_0001>
#map = affine_map<(d0, d1) -> (0, 0)>
#map1 = affine_map<(d0, d1) -> (0)>
module attributes {stable_mosaic.version = 14 : i64} {
  func.func @gk(%arg0: i32, %arg1: i32, %arg2: memref<8192x128xf32, #tpu.memory_space<hbm>>, %arg3: memref<131072xi32, #tpu.memory_space<hbm>>, %arg4: memref<131072x128xf32, #tpu.memory_space<hbm>>, %arg5: memref<128xi32, #tpu.memory_space<vmem>>, %arg6: memref<128x128xf32, #tpu.memory_space<vmem>>, %arg7: memref<!tpu.dma_semaphore, #tpu.memory_space<semaphore_mem>>) attributes {dimension_semantics = [#tpu.dimension_semantics<core_parallel>, #tpu.dimension_semantics<subcore_parallel>], iteration_bounds = array<i64: 2, 16>, scalar_prefetch = 0 : i64, scratch_operands = 3 : i64, tpu.core_type = #tpu.core_type<sc_vector_subcore>, window_params = [{transform_indices = #map}, {transform_indices = #map1}, {transform_indices = #map}]} {
    %mul3A = arith.constant 2 : i32
    %mul3A_0 = arith.muli %arg1, %mul3A : i32
    %add3A = arith.addi %mul3A_0, %arg0 : i32
    %mul3A_1 = arith.constant 4096 : i32
    %mul3A_2 = arith.muli %add3A, %mul3A_1 : i32
    %scan3A = arith.constant 0 : i32
    %scan3A_3 = arith.constant 0 : i32
    %scan3A_4 = arith.constant 32 : i32
    %scan3A_5 = arith.addi %scan3A_3, %scan3A_4 : i32
    %scan3A_6 = arith.constant 1 : i32
    scf.for %scan3A_8 = %scan3A_3 to %scan3A_5 step %scan3A_6  : i32 {
      %mul3A_9 = arith.constant 128 : i32
      %mul3A_10 = arith.muli %scan3A_8, %mul3A_9 : i32
      %add3A_11 = arith.addi %mul3A_2, %mul3A_10 : i32
      "tpu.region"() ({
        %run_scoped3A = tpu.sem_alloc : memref<!tpu.dma_semaphore, #tpu.memory_space<semaphore_mem>>
        %dma_start3A_16 = tpu.memref_slice %arg3[%add3A_11] : memref<131072xi32, #tpu.memory_space<hbm>> -> memref<128xi32, #tpu.memory_space<hbm>>
        %dma_start3A_17 = tpu.memref_slice %arg3[%add3A_11] : memref<131072xi32, #tpu.memory_space<hbm>> -> memref<128xi32, #tpu.memory_space<hbm>>
        tpu.enqueue_dma source(%dma_start3A_17 : memref<128xi32, #tpu.memory_space<hbm>>) target(%arg5 : memref<128xi32, #tpu.memory_space<vmem>>) target_semaphore(%run_scoped3A : memref<!tpu.dma_semaphore, #tpu.memory_space<semaphore_mem>>)
        %dma_wait3A_18 = tpu.memref_slice %arg3[%add3A_11] : memref<131072xi32, #tpu.memory_space<hbm>> -> memref<128xi32, #tpu.memory_space<hbm>>
        %dma_wait3A_19 = tpu.memref_slice %arg3[%add3A_11] : memref<131072xi32, #tpu.memory_space<hbm>> -> memref<128xi32, #tpu.memory_space<hbm>>
        tpu.wait_dma2 semaphore(%run_scoped3A : memref<!tpu.dma_semaphore, #tpu.memory_space<semaphore_mem>>) src(%dma_wait3A_19 : memref<128xi32, #tpu.memory_space<hbm>>) dst(%arg5 : memref<128xi32, #tpu.memory_space<vmem>>)
        tpu.yield
      }) : () -> ()
      %dma_start3A = arith.constant 0 : i32
      %dma_start3A_12 = arith.constant 0 : i32
      %dma_start3A_13 = tpu.memref_slice %arg2[%dma_start3A, %dma_start3A_12] : memref<8192x128xf32, #tpu.memory_space<hbm>> -> memref<8192x128xf32, #tpu.memory_space<hbm>>
      tpu.enqueue_indirect_dma source(%dma_start3A_13 : memref<8192x128xf32, #tpu.memory_space<hbm>>) target(%arg6 : memref<128x128xf32, #tpu.memory_space<vmem>>) offsets(%arg5 : memref<128xi32, #tpu.memory_space<vmem>>) semaphore(%arg7 : memref<!tpu.dma_semaphore, #tpu.memory_space<semaphore_mem>>)
      %dma_wait3A = arith.constant 0 : i32
      %dma_wait3A_14 = arith.constant 0 : i32
      %dma_wait3A_15 = tpu.memref_slice %arg2[%dma_wait3A, %dma_wait3A_14] : memref<8192x128xf32, #tpu.memory_space<hbm>> -> memref<8192x128xf32, #tpu.memory_space<hbm>>
      tpu.wait_indirect_dma semaphore(%arg7 : memref<!tpu.dma_semaphore, #tpu.memory_space<semaphore_mem>>) src(%dma_wait3A_15 : memref<8192x128xf32, #tpu.memory_space<hbm>>) dst(%arg6 : memref<128x128xf32, #tpu.memory_space<vmem>>)
      "tpu.region"() ({
        %run_scoped3A = tpu.sem_alloc : memref<!tpu.dma_semaphore, #tpu.memory_space<semaphore_mem>>
        %dma_start3A_16 = arith.constant 0 : i32
        %dma_start3A_17 = tpu.memref_slice %arg4[%add3A_11, %dma_start3A_16] : memref<131072x128xf32, #tpu.memory_space<hbm>> -> memref<128x128xf32, #tpu.memory_space<hbm>>
        %dma_start3A_18 = arith.constant 0 : i32
        %dma_start3A_19 = tpu.memref_slice %arg4[%add3A_11, %dma_start3A_18] : memref<131072x128xf32, #tpu.memory_space<hbm>> -> memref<128x128xf32, #tpu.memory_space<hbm>>
        tpu.enqueue_dma source(%arg6 : memref<128x128xf32, #tpu.memory_space<vmem>>) target(%dma_start3A_19 : memref<128x128xf32, #tpu.memory_space<hbm>>) target_semaphore(%run_scoped3A : memref<!tpu.dma_semaphore, #tpu.memory_space<semaphore_mem>>)
        %dma_wait3A_20 = arith.constant 0 : i32
        %dma_wait3A_21 = tpu.memref_slice %arg4[%add3A_11, %dma_wait3A_20] : memref<131072x128xf32, #tpu.memory_space<hbm>> -> memref<128x128xf32, #tpu.memory_space<hbm>>
        %dma_wait3A_22 = arith.constant 0 : i32
        %dma_wait3A_23 = tpu.memref_slice %arg4[%add3A_11, %dma_wait3A_22] : memref<131072x128xf32, #tpu.memory_space<hbm>> -> memref<128x128xf32, #tpu.memory_space<hbm>>
        tpu.wait_dma2 semaphore(%run_scoped3A : memref<!tpu.dma_semaphore, #tpu.memory_space<semaphore_mem>>) src(%arg6 : memref<128x128xf32, #tpu.memory_space<vmem>>) dst(%dma_wait3A_23 : memref<128x128xf32, #tpu.memory_space<hbm>>)
        tpu.yield
      }) : () -> ()
    }
    %scan3A_7 = arith.constant 32 : i32
    return
  }
}

#map = affine_map<(d0, d1) -> (0, 0)>
#map1 = affine_map<(d0, d1) -> (0)>
module attributes {stable_mosaic.version = 14 : i64} {
  func.func @gk(%arg0: i32, %arg1: i32, %arg2: memref<8192x128xf32, #tpu.memory_space<hbm>>, %arg3: memref<131072xi32, #tpu.memory_space<hbm>>, %arg4: memref<131072x128xf32, #tpu.memory_space<hbm>>, %arg5: memref<128xi32, #tpu.memory_space<vmem>>, %arg6: memref<128x128xf32, #tpu.memory_space<vmem>>, %arg7: memref<!tpu.dma_semaphore, #tpu.memory_space<semaphore_mem>>) attributes {dimension_semantics = [#tpu.dimension_semantics<core_parallel>, #tpu.dimension_semantics<subcore_parallel>], iteration_bounds = array<i64: 2, 16>, scalar_prefetch = 0 : i64, scratch_operands = 3 : i64, tpu.core_type = #tpu.core_type<sc_vector_subcore>, window_params = [{transform_indices = #map}, {transform_indices = #map1}, {transform_indices = #map}]} {
    %mul3A = arith.constant 2 : i32
    %mul3A_0 = arith.muli %arg1, %mul3A : i32
    %add3A = arith.addi %mul3A_0, %arg0 : i32
    %mul3A_1 = arith.constant 4096 : i32
    %mul3A_2 = arith.muli %add3A, %mul3A_1 : i32
    %scan3A = arith.constant 0 : i32
    %scan3A_3 = arith.constant 0 : i32
    %scan3A_4 = arith.constant 32 : i32
    %scan3A_5 = arith.addi %scan3A_3, %scan3A_4 : i32
    %scan3A_6 = arith.constant 1 : i32
    scf.for %scan3A_8 = %scan3A_3 to %scan3A_5 step %scan3A_6  : i32 {
      %mul3A_9 = arith.constant 128 : i32
      %mul3A_10 = arith.muli %scan3A_8, %mul3A_9 : i32
      %add3A_11 = arith.addi %mul3A_2, %mul3A_10 : i32
      "tpu.region"() ({
        %run_scoped3A = tpu.sem_alloc : memref<!tpu.dma_semaphore, #tpu.memory_space<semaphore_mem>>
        %dma_start3A_16 = tpu.memref_slice %arg3[%add3A_11] : memref<131072xi32, #tpu.memory_space<hbm>> -> memref<128xi32, #tpu.memory_space<hbm>>
        %dma_start3A_17 = tpu.memref_slice %arg3[%add3A_11] : memref<131072xi32, #tpu.memory_space<hbm>> -> memref<128xi32, #tpu.memory_space<hbm>>
        tpu.enqueue_dma source(%dma_start3A_17 : memref<128xi32, #tpu.memory_space<hbm>>) target(%arg5 : memref<128xi32, #tpu.memory_space<vmem>>) target_semaphore(%run_scoped3A : memref<!tpu.dma_semaphore, #tpu.memory_space<semaphore_mem>>)
        %dma_wait3A_18 = tpu.memref_slice %arg3[%add3A_11] : memref<131072xi32, #tpu.memory_space<hbm>> -> memref<128xi32, #tpu.memory_space<hbm>>
        %dma_wait3A_19 = tpu.memref_slice %arg3[%add3A_11] : memref<131072xi32, #tpu.memory_space<hbm>> -> memref<128xi32, #tpu.memory_space<hbm>>
        tpu.wait_dma2 semaphore(%run_scoped3A : memref<!tpu.dma_semaphore, #tpu.memory_space<semaphore_mem>>) src(%dma_wait3A_19 : memref<128xi32, #tpu.memory_space<hbm>>) dst(%arg5 : memref<128xi32, #tpu.memory_space<vmem>>)
        tpu.yield
      }) : () -> ()
      %dma_start3A = arith.constant 0 : i32
      %dma_start3A_12 = arith.constant 0 : i32
      %dma_start3A_13 = tpu.memref_slice %arg2[%dma_start3A, %dma_start3A_12] : memref<8192x128xf32, #tpu.memory_space<hbm>> -> memref<8192x128xf32, #tpu.memory_space<hbm>>
      tpu.enqueue_indirect_dma source(%dma_start3A_13 : memref<8192x128xf32, #tpu.memory_space<hbm>>) target(%arg6 : memref<128x128xf32, #tpu.memory_space<vmem>>) offsets(%arg5 : memref<128xi32, #tpu.memory_space<vmem>>) semaphore(%arg7 : memref<!tpu.dma_semaphore, #tpu.memory_space<semaphore_mem>>)
      %dma_wait3A = arith.constant 0 : i32
      %dma_wait3A_14 = arith.constant 0 : i32
      %dma_wait3A_15 = tpu.memref_slice %arg2[%dma_wait3A, %dma_wait3A_14] : memref<8192x128xf32, #tpu.memory_space<hbm>> -> memref<8192x128xf32, #tpu.memory_space<hbm>>
      tpu.wait_indirect_dma semaphore(%arg7 : memref<!tpu.dma_semaphore, #tpu.memory_space<semaphore_mem>>) src(%dma_wait3A_15 : memref<8192x128xf32, #tpu.memory_space<hbm>>) dst(%arg6 : memref<128x128xf32, #tpu.memory_space<vmem>>)
      "tpu.region"() ({
        %run_scoped3A = tpu.sem_alloc : memref<!tpu.dma_semaphore, #tpu.memory_space<semaphore_mem>>
        %dma_start3A_16 = arith.constant 0 : i32
        %dma_start3A_17 = tpu.memref_slice %arg4[%add3A_11, %dma_start3A_16] : memref<131072x128xf32, #tpu.memory_space<hbm>> -> memref<128x128xf32, #tpu.memory_space<hbm>>
        %dma_start3A_18 = arith.constant 0 : i32
        %dma_start3A_19 = tpu.memref_slice %arg4[%add3A_11, %dma_start3A_18] : memref<131072x128xf32, #tpu.memory_space<hbm>> -> memref<128x128xf32, #tpu.memory_space<hbm>>
        tpu.enqueue_dma source(%arg6 : memref<128x128xf32, #tpu.memory_space<vmem>>) target(%dma_start3A_19 : memref<128x128xf32, #tpu.memory_space<hbm>>) target_semaphore(%run_scoped3A : memref<!tpu.dma_semaphore, #tpu.memory_space<semaphore_mem>>)
        %dma_wait3A_20 = arith.constant 0 : i32
        %dma_wait3A_21 = tpu.memref_slice %arg4[%add3A_11, %dma_wait3A_20] : memref<131072x128xf32, #tpu.memory_space<hbm>> -> memref<128x128xf32, #tpu.memory_space<hbm>>
        %dma_wait3A_22 = arith.constant 0 : i32
        %dma_wait3A_23 = tpu.memref_slice %arg4[%add3A_11, %dma_wait3A_22] : memref<131072x128xf32, #tpu.memory_space<hbm>> -> memref<128x128xf32, #tpu.memory_space<hbm>>
        tpu.wait_dma2 semaphore(%run_scoped3A : memref<!tpu.dma_semaphore, #tpu.memory_space<semaphore_mem>>) src(%arg6 : memref<128x128xf32, #tpu.memory_space<vmem>>) dst(%dma_wait3A_23 : memref<128x128xf32, #tpu.memory_space<hbm>>)
        tpu.yield
      }) : () -> ()
    }
    %scan3A_7 = arith.constant 32 : i32
    return
  }
}

#map = affine_map<(d0, d1) -> (0, 0)>
#map1 = affine_map<(d0, d1) -> (0)>
module attributes {stable_mosaic.version = 14 : i64} {
  func.func @gk(%arg0: i32, %arg1: i32, %arg2: memref<8192x128xf32, #tpu.memory_space<hbm>>, %arg3: memref<131072xi32, #tpu.memory_space<hbm>>, %arg4: memref<131072x128xf32, #tpu.memory_space<hbm>>, %arg5: memref<128xi32, #tpu.memory_space<vmem>>, %arg6: memref<128x128xf32, #tpu.memory_space<vmem>>, %arg7: memref<!tpu.dma_semaphore, #tpu.memory_space<semaphore_mem>>) attributes {dimension_semantics = [#tpu.dimension_semantics<core_parallel>, #tpu.dimension_semantics<subcore_parallel>], iteration_bounds = array<i64: 2, 16>, scalar_prefetch = 0 : i64, scratch_operands = 3 : i64, tpu.core_type = #tpu.core_type<sc_vector_subcore>, window_params = [{transform_indices = #map}, {transform_indices = #map1}, {transform_indices = #map}]} {
    %mul3A = arith.constant 2 : i32
    %mul3A_0 = arith.muli %arg1, %mul3A : i32
    %add3A = arith.addi %mul3A_0, %arg0 : i32
    %mul3A_1 = arith.constant 4096 : i32
    %mul3A_2 = arith.muli %add3A, %mul3A_1 : i32
    %scan3A = arith.constant 0 : i32
    %scan3A_3 = arith.constant 0 : i32
    %scan3A_4 = arith.constant 32 : i32
    %scan3A_5 = arith.addi %scan3A_3, %scan3A_4 : i32
    %scan3A_6 = arith.constant 1 : i32
    scf.for %scan3A_8 = %scan3A_3 to %scan3A_5 step %scan3A_6  : i32 {
      %mul3A_9 = arith.constant 128 : i32
      %mul3A_10 = arith.muli %scan3A_8, %mul3A_9 : i32
      %add3A_11 = arith.addi %mul3A_2, %mul3A_10 : i32
      "tpu.region"() ({
        %run_scoped3A = tpu.sem_alloc : memref<!tpu.dma_semaphore, #tpu.memory_space<semaphore_mem>>
        %dma_start3A_16 = tpu.memref_slice %arg3[%add3A_11] : memref<131072xi32, #tpu.memory_space<hbm>> -> memref<128xi32, #tpu.memory_space<hbm>>
        %dma_start3A_17 = tpu.memref_slice %arg3[%add3A_11] : memref<131072xi32, #tpu.memory_space<hbm>> -> memref<128xi32, #tpu.memory_space<hbm>>
        tpu.enqueue_dma source(%dma_start3A_17 : memref<128xi32, #tpu.memory_space<hbm>>) target(%arg5 : memref<128xi32, #tpu.memory_space<vmem>>) target_semaphore(%run_scoped3A : memref<!tpu.dma_semaphore, #tpu.memory_space<semaphore_mem>>)
        %dma_wait3A_18 = tpu.memref_slice %arg3[%add3A_11] : memref<131072xi32, #tpu.memory_space<hbm>> -> memref<128xi32, #tpu.memory_space<hbm>>
        %dma_wait3A_19 = tpu.memref_slice %arg3[%add3A_11] : memref<131072xi32, #tpu.memory_space<hbm>> -> memref<128xi32, #tpu.memory_space<hbm>>
        tpu.wait_dma2 semaphore(%run_scoped3A : memref<!tpu.dma_semaphore, #tpu.memory_space<semaphore_mem>>) src(%dma_wait3A_19 : memref<128xi32, #tpu.memory_space<hbm>>) dst(%arg5 : memref<128xi32, #tpu.memory_space<vmem>>)
        tpu.yield
      }) : () -> ()
      %dma_start3A = arith.constant 0 : i32
      %dma_start3A_12 = arith.constant 0 : i32
      %dma_start3A_13 = tpu.memref_slice %arg2[%dma_start3A, %dma_start3A_12] : memref<8192x128xf32, #tpu.memory_space<hbm>> -> memref<8192x128xf32, #tpu.memory_space<hbm>>
      tpu.enqueue_indirect_dma source(%dma_start3A_13 : memref<8192x128xf32, #tpu.memory_space<hbm>>) target(%arg6 : memref<128x128xf32, #tpu.memory_space<vmem>>) offsets(%arg5 : memref<128xi32, #tpu.memory_space<vmem>>) semaphore(%arg7 : memref<!tpu.dma_semaphore, #tpu.memory_space<semaphore_mem>>)
      %dma_wait3A = arith.constant 0 : i32
      %dma_wait3A_14 = arith.constant 0 : i32
      %dma_wait3A_15 = tpu.memref_slice %arg2[%dma_wait3A, %dma_wait3A_14] : memref<8192x128xf32, #tpu.memory_space<hbm>> -> memref<8192x128xf32, #tpu.memory_space<hbm>>
      tpu.wait_indirect_dma semaphore(%arg7 : memref<!tpu.dma_semaphore, #tpu.memory_space<semaphore_mem>>) src(%dma_wait3A_15 : memref<8192x128xf32, #tpu.memory_space<hbm>>) dst(%arg6 : memref<128x128xf32, #tpu.memory_space<vmem>>)
      "tpu.region"() ({
        %run_scoped3A = tpu.sem_alloc : memref<!tpu.dma_semaphore, #tpu.memory_space<semaphore_mem>>
        %dma_start3A_16 = arith.constant 0 : i32
        %dma_start3A_17 = tpu.memref_slice %arg4[%add3A_11, %dma_start3A_16] : memref<131072x128xf32, #tpu.memory_space<hbm>> -> memref<128x128xf32, #tpu.memory_space<hbm>>
        %dma_start3A_18 = arith.constant 0 : i32
        %dma_start3A_19 = tpu.memref_slice %arg4[%add3A_11, %dma_start3A_18] : memref<131072x128xf32, #tpu.memory_space<hbm>> -> memref<128x128xf32, #tpu.memory_space<hbm>>
        tpu.enqueue_dma source(%arg6 : memref<128x128xf32, #tpu.memory_space<vmem>>) target(%dma_start3A_19 : memref<128x128xf32, #tpu.memory_space<hbm>>) target_semaphore(%run_scoped3A : memref<!tpu.dma_semaphore, #tpu.memory_space<semaphore_mem>>)
        %dma_wait3A_20 = arith.constant 0 : i32
        %dma_wait3A_21 = tpu.memref_slice %arg4[%add3A_11, %dma_wait3A_20] : memref<131072x128xf32, #tpu.memory_space<hbm>> -> memref<128x128xf32, #tpu.memory_space<hbm>>
        %dma_wait3A_22 = arith.constant 0 : i32
        %dma_wait3A_23 = tpu.memref_slice %arg4[%add3A_11, %dma_wait3A_22] : memref<131072x128xf32, #tpu.memory_space<hbm>> -> memref<128x128xf32, #tpu.memory_space<hbm>>
        tpu.wait_dma2 semaphore(%run_scoped3A : memref<!tpu.dma_semaphore, #tpu.memory_space<semaphore_mem>>) src(%arg6 : memref<128x128xf32, #tpu.memory_space<vmem>>) dst(%dma_wait3A_23 : memref<128x128xf32, #tpu.memory_space<hbm>>)
        tpu.yield
      }) : () -> ()
    }
    %scan3A_7 = arith.constant 32 : i32
    return
  }
}

#map = affine_map<(d0, d1) -> (0, 0)>
#map1 = affine_map<(d0, d1) -> (0)>
module attributes {stable_mosaic.version = 14 : i64} {
  func.func @gk(%arg0: i32, %arg1: i32, %arg2: memref<8192x128xf32, #tpu.memory_space<hbm>>, %arg3: memref<131072xi32, #tpu.memory_space<hbm>>, %arg4: memref<131072x128xf32, #tpu.memory_space<hbm>>, %arg5: memref<128xi32, #tpu.memory_space<vmem>>, %arg6: memref<128x128xf32, #tpu.memory_space<vmem>>, %arg7: memref<!tpu.dma_semaphore, #tpu.memory_space<semaphore_mem>>) attributes {dimension_semantics = [#tpu.dimension_semantics<core_parallel>, #tpu.dimension_semantics<subcore_parallel>], iteration_bounds = array<i64: 2, 16>, scalar_prefetch = 0 : i64, scratch_operands = 3 : i64, tpu.core_type = #tpu.core_type<sc_vector_subcore>, window_params = [{transform_indices = #map}, {transform_indices = #map1}, {transform_indices = #map}]} {
    %mul3A = arith.constant 2 : i32
    %mul3A_0 = arith.muli %arg1, %mul3A : i32
    %add3A = arith.addi %mul3A_0, %arg0 : i32
    %mul3A_1 = arith.constant 4096 : i32
    %mul3A_2 = arith.muli %add3A, %mul3A_1 : i32
    %scan3A = arith.constant 0 : i32
    %scan3A_3 = arith.constant 0 : i32
    %scan3A_4 = arith.constant 32 : i32
    %scan3A_5 = arith.addi %scan3A_3, %scan3A_4 : i32
    %scan3A_6 = arith.constant 1 : i32
    scf.for %scan3A_8 = %scan3A_3 to %scan3A_5 step %scan3A_6  : i32 {
      %mul3A_9 = arith.constant 128 : i32
      %mul3A_10 = arith.muli %scan3A_8, %mul3A_9 : i32
      %add3A_11 = arith.addi %mul3A_2, %mul3A_10 : i32
      "tpu.region"() ({
        %run_scoped3A = tpu.sem_alloc : memref<!tpu.dma_semaphore, #tpu.memory_space<semaphore_mem>>
        %dma_start3A_16 = tpu.memref_slice %arg3[%add3A_11] : memref<131072xi32, #tpu.memory_space<hbm>> -> memref<128xi32, #tpu.memory_space<hbm>>
        %dma_start3A_17 = tpu.memref_slice %arg3[%add3A_11] : memref<131072xi32, #tpu.memory_space<hbm>> -> memref<128xi32, #tpu.memory_space<hbm>>
        tpu.enqueue_dma source(%dma_start3A_17 : memref<128xi32, #tpu.memory_space<hbm>>) target(%arg5 : memref<128xi32, #tpu.memory_space<vmem>>) target_semaphore(%run_scoped3A : memref<!tpu.dma_semaphore, #tpu.memory_space<semaphore_mem>>)
        %dma_wait3A_18 = tpu.memref_slice %arg3[%add3A_11] : memref<131072xi32, #tpu.memory_space<hbm>> -> memref<128xi32, #tpu.memory_space<hbm>>
        %dma_wait3A_19 = tpu.memref_slice %arg3[%add3A_11] : memref<131072xi32, #tpu.memory_space<hbm>> -> memref<128xi32, #tpu.memory_space<hbm>>
        tpu.wait_dma2 semaphore(%run_scoped3A : memref<!tpu.dma_semaphore, #tpu.memory_space<semaphore_mem>>) src(%dma_wait3A_19 : memref<128xi32, #tpu.memory_space<hbm>>) dst(%arg5 : memref<128xi32, #tpu.memory_space<vmem>>)
        tpu.yield
      }) : () -> ()
      %dma_start3A = arith.constant 0 : i32
      %dma_start3A_12 = arith.constant 0 : i32
      %dma_start3A_13 = tpu.memref_slice %arg2[%dma_start3A, %dma_start3A_12] : memref<8192x128xf32, #tpu.memory_space<hbm>> -> memref<8192x128xf32, #tpu.memory_space<hbm>>
      tpu.enqueue_indirect_dma source(%dma_start3A_13 : memref<8192x128xf32, #tpu.memory_space<hbm>>) target(%arg6 : memref<128x128xf32, #tpu.memory_space<vmem>>) offsets(%arg5 : memref<128xi32, #tpu.memory_space<vmem>>) semaphore(%arg7 : memref<!tpu.dma_semaphore, #tpu.memory_space<semaphore_mem>>)
      %dma_wait3A = arith.constant 0 : i32
      %dma_wait3A_14 = arith.constant 0 : i32
      %dma_wait3A_15 = tpu.memref_slice %arg2[%dma_wait3A, %dma_wait3A_14] : memref<8192x128xf32, #tpu.memory_space<hbm>> -> memref<8192x128xf32, #tpu.memory_space<hbm>>
      tpu.wait_indirect_dma semaphore(%arg7 : memref<!tpu.dma_semaphore, #tpu.memory_space<semaphore_mem>>) src(%dma_wait3A_15 : memref<8192x128xf32, #tpu.memory_space<hbm>>) dst(%arg6 : memref<128x128xf32, #tpu.memory_space<vmem>>)
      "tpu.region"() ({
        %run_scoped3A = tpu.sem_alloc : memref<!tpu.dma_semaphore, #tpu.memory_space<semaphore_mem>>
        %dma_start3A_16 = arith.constant 0 : i32
        %dma_start3A_17 = tpu.memref_slice %arg4[%add3A_11, %dma_start3A_16] : memref<131072x128xf32, #tpu.memory_space<hbm>> -> memref<128x128xf32, #tpu.memory_space<hbm>>
        %dma_start3A_18 = arith.constant 0 : i32
        %dma_start3A_19 = tpu.memref_slice %arg4[%add3A_11, %dma_start3A_18] : memref<131072x128xf32, #tpu.memory_space<hbm>> -> memref<128x128xf32, #tpu.memory_space<hbm>>
        tpu.enqueue_dma source(%arg6 : memref<128x128xf32, #tpu.memory_space<vmem>>) target(%dma_start3A_19 : memref<128x128xf32, #tpu.memory_space<hbm>>) target_semaphore(%run_scoped3A : memref<!tpu.dma_semaphore, #tpu.memory_space<semaphore_mem>>)
        %dma_wait3A_20 = arith.constant 0 : i32
        %dma_wait3A_21 = tpu.memref_slice %arg4[%add3A_11, %dma_wait3A_20] : memref<131072x128xf32, #tpu.memory_space<hbm>> -> memref<128x128xf32, #tpu.memory_space<hbm>>
        %dma_wait3A_22 = arith.constant 0 : i32
        %dma_wait3A_23 = tpu.memref_slice %arg4[%add3A_11, %dma_wait3A_22] : memref<131072x128xf32, #tpu.memory_space<hbm>> -> memref<128x128xf32, #tpu.memory_space<hbm>>
        tpu.wait_dma2 semaphore(%run_scoped3A : memref<!tpu.dma_semaphore, #tpu.memory_space<semaphore_mem>>) src(%arg6 : memref<128x128xf32, #tpu.memory_space<vmem>>) dst(%dma_wait3A_23 : memref<128x128xf32, #tpu.memory_space<hbm>>)
        tpu.yield
      }) : () -> ()
    }
    %scan3A_7 = arith.constant 32 : i32
    return
  }
}

module attributes {stable_mosaic.version = 14 : i64} {
  func.func @_sum_kernel(%arg0: i32, %arg1: memref<1x2048x64xf32, #tpu.memory_space<vmem>>, %arg2: memref<1x64xf32, #tpu.memory_space<vmem>>) attributes {dimension_semantics = [#tpu.dimension_semantics<arbitrary>], iteration_bounds = array<i64: 16>, scalar_prefetch = 0 : i64, scratch_operands = 0 : i64, tpu.core_type = #tpu.core_type<tc>, window_params = [{transform_indices = @transform_0, window_bounds = array<i64: 1, 2048, 64>}, {pipeline_mode = #tpu.pipeline_mode<synchronous>, transform_indices = @transform_1, window_bounds = array<i64: 1, 64>}]} {
    %get3A = arith.constant 0 : index
    %get3A_0 = arith.constant 0 : index
    %get3A_1 = arith.constant 0 : index
    %get3A_2 = vector.load %arg1[%get3A, %get3A_0, %get3A_1] : memref<1x2048x64xf32, #tpu.memory_space<vmem>>, vector<1x2048x64xf32>
    %get3A_3 = vector.shape_cast %get3A_2 : vector<1x2048x64xf32> to vector<2048x64xf32>
    %reduce_sum3A = arith.constant dense<0.000000e+00> : vector<64xf32>
    %reduce_sum3A_4 = vector.multi_reduction <add>, %get3A_3, %reduce_sum3A [0] : vector<2048x64xf32> to vector<64xf32>
    %eq3A = arith.constant 0 : i32
    %eq3A_5 = arith.cmpi eq, %arg0, %eq3A : i32
    %convert_element_type3A = arith.extui %eq3A_5 : i1 to i32
    %cond3A = arith.constant 0 : i32
    %cond3A_6 = arith.cmpi ne, %convert_element_type3A, %cond3A : i32
    scf.if %cond3A_6 {
      %swap3A = arith.constant 0 : index
      %swap3A_11 = arith.constant 0 : index
      %swap3A_12 = vector.load %arg2[%swap3A, %swap3A_11] : memref<1x64xf32, #tpu.memory_space<vmem>>, vector<1x64xf32>
      %swap3A_13 = vector.shape_cast %swap3A_12 : vector<1x64xf32> to vector<64xf32>
      %swap3A_14 = vector.shape_cast %reduce_sum3A_4 : vector<64xf32> to vector<1x64xf32>
      tpu.vector_store %arg2[%swap3A, %swap3A_11], %swap3A_14 {strides = array<i32>} : memref<1x64xf32, #tpu.memory_space<vmem>>, vector<1x64xf32>,
    } else {
    }
    %ne3A = arith.constant 0 : i32
    %ne3A_7 = arith.cmpi ne, %arg0, %ne3A : i32
    %convert_element_type3A_8 = arith.extui %ne3A_7 : i1 to i32
    %cond3A_9 = arith.constant 0 : i32
    %cond3A_10 = arith.cmpi ne, %convert_element_type3A_8, %cond3A_9 : i32
    scf.if %cond3A_10 {
      %get3A_11 = arith.constant 0 : index
      %get3A_12 = arith.constant 0 : index
      %get3A_13 = vector.load %arg2[%get3A_11, %get3A_12] : memref<1x64xf32, #tpu.memory_space<vmem>>, vector<1x64xf32>
      %get3A_14 = vector.shape_cast %get3A_13 : vector<1x64xf32> to vector<64xf32>
      %add3A = arith.addf %get3A_14, %reduce_sum3A_4 : vector<64xf32>
      %swap3A = arith.constant 0 : index
      %swap3A_15 = arith.constant 0 : index
      %swap3A_16 = vector.load %arg2[%swap3A, %swap3A_15] : memref<1x64xf32, #tpu.memory_space<vmem>>, vector<1x64xf32>
      %swap3A_17 = vector.shape_cast %swap3A_16 : vector<1x64xf32> to vector<64xf32>
      %swap3A_18 = vector.shape_cast %add3A : vector<64xf32> to vector<1x64xf32>
      tpu.vector_store %arg2[%swap3A, %swap3A_15], %swap3A_18 {strides = array<i32>} : memref<1x64xf32, #tpu.memory_space<vmem>>, vector<1x64xf32>,
    } else {
    }
    return
  }
  func.func @transform_0(%arg0: i32) -> (i32, i32, i32) {
    %c0_i32 = arith.constant 0 : i32
    %c0_i32_0 = arith.constant 0 : i32
    %c0_i32_1 = arith.constant 0 : i32
    return %arg0, %c0_i32, %c0_i32_0 : i32, i32, i32
  }
  func.func @transform_1(%arg0: i32) -> (i32, i32) {
    %c0_i32 = arith.constant 0 : i32
    %c0_i32_0 = arith.constant 0 : i32
    %c0_i32_1 = arith.constant 0 : i32
    return %c0_i32, %c0_i32_0 : i32, i32
  }
}

module attributes {stable_mosaic.version = 14 : i64} {
  func.func @_knn_kernel(%arg0: i32, %arg1: i32, %arg2: memref<1x2048x64xf32, #tpu.memory_space<vmem>>, %arg3: memref<1x64xf32, #tpu.memory_space<vmem>>, %arg4: memref<1x64xf32, #tpu.memory_space<vmem>>, %arg5: memref<1x64xf32, #tpu.memory_space<vmem>>, %arg6: memref<1x64xf32, #tpu.memory_space<vmem>>, %arg7: memref<1x256x16xi32, #tpu.memory_space<vmem>>, %arg8: memref<1x2048x128xf32, #tpu.memory_space<vmem>>) attributes {dimension_semantics = [#tpu.dimension_semantics<arbitrary>, #tpu.dimension_semantics<arbitrary>], iteration_bounds = array<i64: 4, 8>, scalar_prefetch = 0 : i64, scratch_operands = 0 : i64, tpu.core_type = #tpu.core_type<tc>, window_params = [{transform_indices = @transform_0, window_bounds = array<i64: 1, 2048, 64>}, {pipeline_mode = #tpu.pipeline_mode<synchronous>, transform_indices = @transform_1, window_bounds = array<i64: 1, 64>}, {pipeline_mode = #tpu.pipeline_mode<synchronous>, transform_indices = @transform_2, window_bounds = array<i64: 1, 64>}, {pipeline_mode = #tpu.pipeline_mode<synchronous>, transform_indices = @transform_3, window_bounds = array<i64: 1, 64>}, {pipeline_mode = #tpu.pipeline_mode<synchronous>, transform_indices = @transform_4, window_bounds = array<i64: 1, 64>}, {transform_indices = @transform_5, window_bounds = array<i64: 1, 256, 16>}, {transform_indices = @transform_6, window_bounds = array<i64: 1, 2048, 128>}]} {
    %get3A = arith.constant 0 : index
    %get3A_0 = arith.constant 0 : index
    %get3A_1 = vector.load %arg3[%get3A, %get3A_0] : memref<1x64xf32, #tpu.memory_space<vmem>>, vector<1x64xf32>
    %get3A_2 = vector.shape_cast %get3A_1 : vector<1x64xf32> to vector<64xf32>
    %broadcast_in_dim3A = vector.shape_cast %get3A_2 : vector<64xf32> to vector<1x64xf32>
    %get3A_3 = arith.constant 0 : index
    %get3A_4 = arith.constant 0 : index
    %get3A_5 = vector.load %arg4[%get3A_3, %get3A_4] : memref<1x64xf32, #tpu.memory_space<vmem>>, vector<1x64xf32>
    %get3A_6 = vector.shape_cast %get3A_5 : vector<1x64xf32> to vector<64xf32>
    %broadcast_in_dim3A_7 = vector.shape_cast %get3A_6 : vector<64xf32> to vector<1x64xf32>
    %get3A_8 = arith.constant 0 : index
    %get3A_9 = arith.constant 0 : index
    %get3A_10 = vector.load %arg5[%get3A_8, %get3A_9] : memref<1x64xf32, #tpu.memory_space<vmem>>, vector<1x64xf32>
    %get3A_11 = vector.shape_cast %get3A_10 : vector<1x64xf32> to vector<64xf32>
    %broadcast_in_dim3A_12 = vector.shape_cast %get3A_11 : vector<64xf32> to vector<1x64xf32>
    %get3A_13 = arith.constant 0 : index
    %get3A_14 = arith.constant 0 : index
    %get3A_15 = vector.load %arg6[%get3A_13, %get3A_14] : memref<1x64xf32, #tpu.memory_space<vmem>>, vector<1x64xf32>
    %get3A_16 = vector.shape_cast %get3A_15 : vector<1x64xf32> to vector<64xf32>
    %broadcast_in_dim3A_17 = vector.shape_cast %get3A_16 : vector<64xf32> to vector<1x64xf32>
    %get3A_18 = arith.constant 0 : index
    %get3A_19 = arith.constant 0 : index
    %get3A_20 = arith.constant 0 : index
    %get3A_21 = vector.load %arg2[%get3A_18, %get3A_19, %get3A_20] : memref<1x2048x64xf32, #tpu.memory_space<vmem>>, vector<1x2048x64xf32>
    %get3A_22 = vector.shape_cast %get3A_21 : vector<1x2048x64xf32> to vector<2048x64xf32>
    %sub3A = vector.broadcast %broadcast_in_dim3A : vector<1x64xf32> to vector<2048x64xf32>
    %sub3A_23 = arith.subf %get3A_22, %sub3A : vector<2048x64xf32>
    %mul3A = vector.broadcast %broadcast_in_dim3A_7 : vector<1x64xf32> to vector<2048x64xf32>
    %mul3A_24 = arith.mulf %sub3A_23, %mul3A : vector<2048x64xf32>
    %mul3A_25 = vector.broadcast %broadcast_in_dim3A_12 : vector<1x64xf32> to vector<2048x64xf32>
    %mul3A_26 = arith.mulf %mul3A_24, %mul3A_25 : vector<2048x64xf32>
    %add3A = vector.broadcast %broadcast_in_dim3A_17 : vector<1x64xf32> to vector<2048x64xf32>
    %add3A_27 = arith.addf %mul3A_26, %add3A : vector<2048x64xf32>
    %mul3A_28 = arith.mulf %add3A_27, %add3A_27 : vector<2048x64xf32>
    %reduce_sum3A = arith.constant dense<0.000000e+00> : vector<2048xf32>
    %reduce_sum3A_29 = vector.multi_reduction <add>, %mul3A_28, %reduce_sum3A [1] : vector<2048x64xf32> to vector<2048xf32>
    %mul3A_30 = arith.constant 256 : i32
    %mul3A_31 = arith.muli %arg1, %mul3A_30 : i32
    %get3A_32 = arith.constant 0 : index
    %get3A_33 = arith.index_cast %mul3A_31 : i32 to index
    %get3A_34 = arith.constant 0 : index
    %get3A_35 = vector.load %arg2[%get3A_32, %get3A_33, %get3A_34] : memref<1x2048x64xf32, #tpu.memory_space<vmem>>, vector<1x256x64xf32>
    %get3A_36 = vector.shape_cast %get3A_35 : vector<1x256x64xf32> to vector<256x64xf32>
    %sub3A_37 = vector.broadcast %broadcast_in_dim3A : vector<1x64xf32> to vector<256x64xf32>
    %sub3A_38 = arith.subf %get3A_36, %sub3A_37 : vector<256x64xf32>
    %mul3A_39 = vector.broadcast %broadcast_in_dim3A_7 : vector<1x64xf32> to vector<256x64xf32>
    %mul3A_40 = arith.mulf %sub3A_38, %mul3A_39 : vector<256x64xf32>
    %mul3A_41 = vector.broadcast %broadcast_in_dim3A_12 : vector<1x64xf32> to vector<256x64xf32>
    %mul3A_42 = arith.mulf %mul3A_40, %mul3A_41 : vector<256x64xf32>
    %add3A_43 = vector.broadcast %broadcast_in_dim3A_17 : vector<1x64xf32> to vector<256x64xf32>
    %add3A_44 = arith.addf %mul3A_42, %add3A_43 : vector<256x64xf32>
    %mul3A_45 = arith.mulf %add3A_44, %add3A_44 : vector<256x64xf32>
    %reduce_sum3A_46 = arith.constant dense<0.000000e+00> : vector<256xf32>
    %reduce_sum3A_47 = vector.multi_reduction <add>, %mul3A_45, %reduce_sum3A_46 [1] : vector<256x64xf32> to vector<256xf32>
    %dot_general3A = arith.constant dense<0.000000e+00> : vector<256x2048xf32>
    %dot_general3A_48 = tpu.matmul %add3A_44, %add3A_27, %dot_general3A {dimension_numbers = #tpu.dot_dimension_numbers<[1], [1], [0], [0], [0, 0, 1, 0], [], []>, transpose_lhs_hint = false} : vector<256x64xf32>, vector<2048x64xf32>, vector<256x2048xf32> -> vector<256x2048xf32>
    %broadcast_in_dim3A_49 = vector.shape_cast %reduce_sum3A_47 : vector<256xf32> to vector<256x1xf32>
    %mul3A_50 = arith.constant 2.000000e+00 : f32
    %mul3A_51 = vector.broadcast %mul3A_50 : f32 to vector<256x2048xf32>
    %mul3A_52 = arith.mulf %mul3A_51, %dot_general3A_48 : vector<256x2048xf32>
    %sub3A_53 = vector.broadcast %broadcast_in_dim3A_49 : vector<256x1xf32> to vector<256x2048xf32>
    %sub3A_54 = arith.subf %sub3A_53, %mul3A_52 : vector<256x2048xf32>
    %broadcast_in_dim3A_55 = vector.shape_cast %reduce_sum3A_29 : vector<2048xf32> to vector<1x2048xf32>
    %add3A_56 = vector.broadcast %broadcast_in_dim3A_55 : vector<1x2048xf32> to vector<256x2048xf32>
    %add3A_57 = arith.addf %sub3A_54, %add3A_56 : vector<256x2048xf32>
    %eq3A = arith.constant 0 : i32
    %eq3A_58 = arith.cmpi eq, %arg1, %eq3A : i32
    %convert_element_type3A = arith.extui %eq3A_58 : i1 to i32
    %cond3A = arith.constant 0 : i32
    %cond3A_59 = arith.cmpi ne, %convert_element_type3A, %cond3A : i32
    scf.if %cond3A_59 {
      %broadcast_in_dim3A_468 = arith.constant 0.000000e+00 : f32
      %broadcast_in_dim3A_469 = vector.broadcast %broadcast_in_dim3A_468 : f32 to vector<2048x64xf32>
      %concatenate3A = tpu.concatenate %add3A_27, %broadcast_in_dim3A_469 in 1 : vector<2048x64xf32>, vector<2048x64xf32> -> vector<2048x128xf32>
      %swap3A_470 = arith.constant 0 : index
      %swap3A_471 = arith.constant 0 : index
      %swap3A_472 = arith.constant 0 : index
      %swap3A_473 = vector.load %arg8[%swap3A_470, %swap3A_471, %swap3A_472] : memref<1x2048x128xf32, #tpu.memory_space<vmem>>, vector<1x2048x128xf32>
      %swap3A_474 = vector.shape_cast %swap3A_473 : vector<1x2048x128xf32> to vector<2048x128xf32>
      %swap3A_475 = vector.shape_cast %concatenate3A : vector<2048x128xf32> to vector<1x2048x128xf32>
      tpu.vector_store %arg8[%swap3A_470, %swap3A_471, %swap3A_472], %swap3A_475 {strides = array<i32>} : memref<1x2048x128xf32, #tpu.memory_space<vmem>>, vector<1x2048x128xf32>,
    } else {
    }
    %iota3A = tpu.iota {dimensions = array<i32: 1>} : vector<256x2048xi32>
    %convert_element_type3A_60 = arith.sitofp %iota3A : vector<256x2048xi32> to vector<256x2048xf32>
    %mul3A_61 = arith.constant 2048 : i32
    %mul3A_62 = arith.muli %arg0, %mul3A_61 : i32
    %reduce_min3A = arith.constant dense<0x7F800000> : vector<256xf32>
    %reduce_min3A_63 = vector.multi_reduction <minimumf>, %add3A_57, %reduce_min3A [1] : vector<256x2048xf32> to vector<256xf32>
    %broadcast_in_dim3A_64 = vector.shape_cast %reduce_min3A_63 : vector<256xf32> to vector<256x1xf32>
    %le3A = vector.broadcast %broadcast_in_dim3A_64 : vector<256x1xf32> to vector<256x2048xf32>
    %le3A_65 = arith.cmpf ole, %add3A_57, %le3A : vector<256x2048xf32>
    %jit3A = arith.constant 2.048000e+03 : f32
    %broadcast_in_dim3A_66 = vector.broadcast %jit3A : f32 to vector<256x2048xf32>
    %select_n3A = arith.select %le3A_65, %convert_element_type3A_60, %broadcast_in_dim3A_66 : vector<256x2048xi1>, vector<256x2048xf32>
    %reduce_min3A_67 = arith.constant dense<0x7F800000> : vector<256xf32>
    %reduce_min3A_68 = vector.multi_reduction <minimumf>, %select_n3A, %reduce_min3A_67 [1] : vector<256x2048xf32> to vector<256xf32>
    %broadcast_in_dim3A_69 = vector.shape_cast %reduce_min3A_68 : vector<256xf32> to vector<256x1xf32>
    %squeeze3A = vector.shape_cast %broadcast_in_dim3A_69 : vector<256x1xf32> to vector<256xf32>
    %convert_element_type3A_70 = arith.fptosi %squeeze3A : vector<256xf32> to vector<256xi32>
    %add3A_71 = vector.broadcast %mul3A_62 : i32 to vector<256xi32>
    %add3A_72 = arith.addi %convert_element_type3A_70, %add3A_71 : vector<256xi32>
    %swap3A = arith.constant 0 : index
    %swap3A_73 = arith.constant 0 : index
    %swap3A_74 = arith.constant 0 : index
    %swap3A_75 = vector.load %arg7[%swap3A, %swap3A_73, %swap3A_74] : memref<1x256x16xi32, #tpu.memory_space<vmem>>, vector<1x256x1xi32>
    %swap3A_76 = vector.shape_cast %swap3A_75 : vector<1x256x1xi32> to vector<256xi32>
    %swap3A_77 = vector.shape_cast %add3A_72 : vector<256xi32> to vector<1x256x1xi32>
    tpu.vector_store %arg7[%swap3A, %swap3A_73, %swap3A_74], %swap3A_77 {strides = array<i32>} : memref<1x256x16xi32, #tpu.memory_space<vmem>>, vector<1x256x1xi32>,
    %eq3A_78 = vector.broadcast %broadcast_in_dim3A_69 : vector<256x1xf32> to vector<256x2048xf32>
    %eq3A_79 = arith.cmpf oeq, %select_n3A, %eq3A_78 : vector<256x2048xf32>
    %jit3A_80 = arith.constant 0x7F800000 : f32
    %broadcast_in_dim3A_81 = vector.broadcast %jit3A_80 : f32 to vector<256x2048xf32>
    %select_n3A_82 = arith.select %eq3A_79, %broadcast_in_dim3A_81, %add3A_57 : vector<256x2048xi1>, vector<256x2048xf32>
    %reduce_min3A_83 = arith.constant dense<0x7F800000> : vector<256xf32>
    %reduce_min3A_84 = vector.multi_reduction <minimumf>, %select_n3A_82, %reduce_min3A_83 [1] : vector<256x2048xf32> to vector<256xf32>
    %broadcast_in_dim3A_85 = vector.shape_cast %reduce_min3A_84 : vector<256xf32> to vector<256x1xf32>
    %le3A_86 = vector.broadcast %broadcast_in_dim3A_85 : vector<256x1xf32> to vector<256x2048xf32>
    %le3A_87 = arith.cmpf ole, %select_n3A_82, %le3A_86 : vector<256x2048xf32>
    %jit3A_88 = arith.constant 2.048000e+03 : f32
    %broadcast_in_dim3A_89 = vector.broadcast %jit3A_88 : f32 to vector<256x2048xf32>
    %select_n3A_90 = arith.select %le3A_87, %convert_element_type3A_60, %broadcast_in_dim3A_89 : vector<256x2048xi1>, vector<256x2048xf32>
    %reduce_min3A_91 = arith.constant dense<0x7F800000> : vector<256xf32>
    %reduce_min3A_92 = vector.multi_reduction <minimumf>, %select_n3A_90, %reduce_min3A_91 [1] : vector<256x2048xf32> to vector<256xf32>
    %broadcast_in_dim3A_93 = vector.shape_cast %reduce_min3A_92 : vector<256xf32> to vector<256x1xf32>
    %squeeze3A_94 = vector.shape_cast %broadcast_in_dim3A_93 : vector<256x1xf32> to vector<256xf32>
    %convert_element_type3A_95 = arith.fptosi %squeeze3A_94 : vector<256xf32> to vector<256xi32>
    %add3A_96 = vector.broadcast %mul3A_62 : i32 to vector<256xi32>
    %add3A_97 = arith.addi %convert_element_type3A_95, %add3A_96 : vector<256xi32>
    %swap3A_98 = arith.constant 0 : index
    %swap3A_99 = arith.constant 0 : index
    %swap3A_100 = arith.constant 1 : index
    %swap3A_101 = vector.load %arg7[%swap3A_98, %swap3A_99, %swap3A_100] : memref<1x256x16xi32, #tpu.memory_space<vmem>>, vector<1x256x1xi32>
    %swap3A_102 = vector.shape_cast %swap3A_101 : vector<1x256x1xi32> to vector<256xi32>
    %swap3A_103 = vector.shape_cast %add3A_97 : vector<256xi32> to vector<1x256x1xi32>
    tpu.vector_store %arg7[%swap3A_98, %swap3A_99, %swap3A_100], %swap3A_103 {strides = array<i32>} : memref<1x256x16xi32, #tpu.memory_space<vmem>>, vector<1x256x1xi32>,
    %eq3A_104 = vector.broadcast %broadcast_in_dim3A_93 : vector<256x1xf32> to vector<256x2048xf32>
    %eq3A_105 = arith.cmpf oeq, %select_n3A_90, %eq3A_104 : vector<256x2048xf32>
    %jit3A_106 = arith.constant 0x7F800000 : f32
    %broadcast_in_dim3A_107 = vector.broadcast %jit3A_106 : f32 to vector<256x2048xf32>
    %select_n3A_108 = arith.select %eq3A_105, %broadcast_in_dim3A_107, %select_n3A_82 : vector<256x2048xi1>, vector<256x2048xf32>
    %reduce_min3A_109 = arith.constant dense<0x7F800000> : vector<256xf32>
    %reduce_min3A_110 = vector.multi_reduction <minimumf>, %select_n3A_108, %reduce_min3A_109 [1] : vector<256x2048xf32> to vector<256xf32>
    %broadcast_in_dim3A_111 = vector.shape_cast %reduce_min3A_110 : vector<256xf32> to vector<256x1xf32>
    %le3A_112 = vector.broadcast %broadcast_in_dim3A_111 : vector<256x1xf32> to vector<256x2048xf32>
    %le3A_113 = arith.cmpf ole, %select_n3A_108, %le3A_112 : vector<256x2048xf32>
    %jit3A_114 = arith.constant 2.048000e+03 : f32
    %broadcast_in_dim3A_115 = vector.broadcast %jit3A_114 : f32 to vector<256x2048xf32>
    %select_n3A_116 = arith.select %le3A_113, %convert_element_type3A_60, %broadcast_in_dim3A_115 : vector<256x2048xi1>, vector<256x2048xf32>
    %reduce_min3A_117 = arith.constant dense<0x7F800000> : vector<256xf32>
    %reduce_min3A_118 = vector.multi_reduction <minimumf>, %select_n3A_116, %reduce_min3A_117 [1] : vector<256x2048xf32> to vector<256xf32>
    %broadcast_in_dim3A_119 = vector.shape_cast %reduce_min3A_118 : vector<256xf32> to vector<256x1xf32>
    %squeeze3A_120 = vector.shape_cast %broadcast_in_dim3A_119 : vector<256x1xf32> to vector<256xf32>
    %convert_element_type3A_121 = arith.fptosi %squeeze3A_120 : vector<256xf32> to vector<256xi32>
    %add3A_122 = vector.broadcast %mul3A_62 : i32 to vector<256xi32>
    %add3A_123 = arith.addi %convert_element_type3A_121, %add3A_122 : vector<256xi32>
    %swap3A_124 = arith.constant 0 : index
    %swap3A_125 = arith.constant 0 : index
    %swap3A_126 = arith.constant 2 : index
    %swap3A_127 = vector.load %arg7[%swap3A_124, %swap3A_125, %swap3A_126] : memref<1x256x16xi32, #tpu.memory_space<vmem>>, vector<1x256x1xi32>
    %swap3A_128 = vector.shape_cast %swap3A_127 : vector<1x256x1xi32> to vector<256xi32>
    %swap3A_129 = vector.shape_cast %add3A_123 : vector<256xi32> to vector<1x256x1xi32>
    tpu.vector_store %arg7[%swap3A_124, %swap3A_125, %swap3A_126], %swap3A_129 {strides = array<i32>} : memref<1x256x16xi32, #tpu.memory_space<vmem>>, vector<1x256x1xi32>,
    %eq3A_130 = vector.broadcast %broadcast_in_dim3A_119 : vector<256x1xf32> to vector<256x2048xf32>
    %eq3A_131 = arith.cmpf oeq, %select_n3A_116, %eq3A_130 : vector<256x2048xf32>
    %jit3A_132 = arith.constant 0x7F800000 : f32
    %broadcast_in_dim3A_133 = vector.broadcast %jit3A_132 : f32 to vector<256x2048xf32>
    %select_n3A_134 = arith.select %eq3A_131, %broadcast_in_dim3A_133, %select_n3A_108 : vector<256x2048xi1>, vector<256x2048xf32>
    %reduce_min3A_135 = arith.constant dense<0x7F800000> : vector<256xf32>
    %reduce_min3A_136 = vector.multi_reduction <minimumf>, %select_n3A_134, %reduce_min3A_135 [1] : vector<256x2048xf32> to vector<256xf32>
    %broadcast_in_dim3A_137 = vector.shape_cast %reduce_min3A_136 : vector<256xf32> to vector<256x1xf32>
    %le3A_138 = vector.broadcast %broadcast_in_dim3A_137 : vector<256x1xf32> to vector<256x2048xf32>
    %le3A_139 = arith.cmpf ole, %select_n3A_134, %le3A_138 : vector<256x2048xf32>
    %jit3A_140 = arith.constant 2.048000e+03 : f32
    %broadcast_in_dim3A_141 = vector.broadcast %jit3A_140 : f32 to vector<256x2048xf32>
    %select_n3A_142 = arith.select %le3A_139, %convert_element_type3A_60, %broadcast_in_dim3A_141 : vector<256x2048xi1>, vector<256x2048xf32>
    %reduce_min3A_143 = arith.constant dense<0x7F800000> : vector<256xf32>
    %reduce_min3A_144 = vector.multi_reduction <minimumf>, %select_n3A_142, %reduce_min3A_143 [1] : vector<256x2048xf32> to vector<256xf32>
    %broadcast_in_dim3A_145 = vector.shape_cast %reduce_min3A_144 : vector<256xf32> to vector<256x1xf32>
    %squeeze3A_146 = vector.shape_cast %broadcast_in_dim3A_145 : vector<256x1xf32> to vector<256xf32>
    %convert_element_type3A_147 = arith.fptosi %squeeze3A_146 : vector<256xf32> to vector<256xi32>
    %add3A_148 = vector.broadcast %mul3A_62 : i32 to vector<256xi32>
    %add3A_149 = arith.addi %convert_element_type3A_147, %add3A_148 : vector<256xi32>
    %swap3A_150 = arith.constant 0 : index
    %swap3A_151 = arith.constant 0 : index
    %swap3A_152 = arith.constant 3 : index
    %swap3A_153 = vector.load %arg7[%swap3A_150, %swap3A_151, %swap3A_152] : memref<1x256x16xi32, #tpu.memory_space<vmem>>, vector<1x256x1xi32>
    %swap3A_154 = vector.shape_cast %swap3A_153 : vector<1x256x1xi32> to vector<256xi32>
    %swap3A_155 = vector.shape_cast %add3A_149 : vector<256xi32> to vector<1x256x1xi32>
    tpu.vector_store %arg7[%swap3A_150, %swap3A_151, %swap3A_152], %swap3A_155 {strides = array<i32>} : memref<1x256x16xi32, #tpu.memory_space<vmem>>, vector<1x256x1xi32>,
    %eq3A_156 = vector.broadcast %broadcast_in_dim3A_145 : vector<256x1xf32> to vector<256x2048xf32>
    %eq3A_157 = arith.cmpf oeq, %select_n3A_142, %eq3A_156 : vector<256x2048xf32>
    %jit3A_158 = arith.constant 0x7F800000 : f32
    %broadcast_in_dim3A_159 = vector.broadcast %jit3A_158 : f32 to vector<256x2048xf32>
    %select_n3A_160 = arith.select %eq3A_157, %broadcast_in_dim3A_159, %select_n3A_134 : vector<256x2048xi1>, vector<256x2048xf32>
    %reduce_min3A_161 = arith.constant dense<0x7F800000> : vector<256xf32>
    %reduce_min3A_162 = vector.multi_reduction <minimumf>, %select_n3A_160, %reduce_min3A_161 [1] : vector<256x2048xf32> to vector<256xf32>
    %broadcast_in_dim3A_163 = vector.shape_cast %reduce_min3A_162 : vector<256xf32> to vector<256x1xf32>
    %le3A_164 = vector.broadcast %broadcast_in_dim3A_163 : vector<256x1xf32> to vector<256x2048xf32>
    %le3A_165 = arith.cmpf ole, %select_n3A_160, %le3A_164 : vector<256x2048xf32>
    %jit3A_166 = arith.constant 2.048000e+03 : f32
    %broadcast_in_dim3A_167 = vector.broadcast %jit3A_166 : f32 to vector<256x2048xf32>
    %select_n3A_168 = arith.select %le3A_165, %convert_element_type3A_60, %broadcast_in_dim3A_167 : vector<256x2048xi1>, vector<256x2048xf32>
    %reduce_min3A_169 = arith.constant dense<0x7F800000> : vector<256xf32>
    %reduce_min3A_170 = vector.multi_reduction <minimumf>, %select_n3A_168, %reduce_min3A_169 [1] : vector<256x2048xf32> to vector<256xf32>
    %broadcast_in_dim3A_171 = vector.shape_cast %reduce_min3A_170 : vector<256xf32> to vector<256x1xf32>
    %squeeze3A_172 = vector.shape_cast %broadcast_in_dim3A_171 : vector<256x1xf32> to vector<256xf32>
    %convert_element_type3A_173 = arith.fptosi %squeeze3A_172 : vector<256xf32> to vector<256xi32>
    %add3A_174 = vector.broadcast %mul3A_62 : i32 to vector<256xi32>
    %add3A_175 = arith.addi %convert_element_type3A_173, %add3A_174 : vector<256xi32>
    %swap3A_176 = arith.constant 0 : index
    %swap3A_177 = arith.constant 0 : index
    %swap3A_178 = arith.constant 4 : index
    %swap3A_179 = vector.load %arg7[%swap3A_176, %swap3A_177, %swap3A_178] : memref<1x256x16xi32, #tpu.memory_space<vmem>>, vector<1x256x1xi32>
    %swap3A_180 = vector.shape_cast %swap3A_179 : vector<1x256x1xi32> to vector<256xi32>
    %swap3A_181 = vector.shape_cast %add3A_175 : vector<256xi32> to vector<1x256x1xi32>
    tpu.vector_store %arg7[%swap3A_176, %swap3A_177, %swap3A_178], %swap3A_181 {strides = array<i32>} : memref<1x256x16xi32, #tpu.memory_space<vmem>>, vector<1x256x1xi32>,
    %eq3A_182 = vector.broadcast %broadcast_in_dim3A_171 : vector<256x1xf32> to vector<256x2048xf32>
    %eq3A_183 = arith.cmpf oeq, %select_n3A_168, %eq3A_182 : vector<256x2048xf32>
    %jit3A_184 = arith.constant 0x7F800000 : f32
    %broadcast_in_dim3A_185 = vector.broadcast %jit3A_184 : f32 to vector<256x2048xf32>
    %select_n3A_186 = arith.select %eq3A_183, %broadcast_in_dim3A_185, %select_n3A_160 : vector<256x2048xi1>, vector<256x2048xf32>
    %reduce_min3A_187 = arith.constant dense<0x7F800000> : vector<256xf32>
    %reduce_min3A_188 = vector.multi_reduction <minimumf>, %select_n3A_186, %reduce_min3A_187 [1] : vector<256x2048xf32> to vector<256xf32>
    %broadcast_in_dim3A_189 = vector.shape_cast %reduce_min3A_188 : vector<256xf32> to vector<256x1xf32>
    %le3A_190 = vector.broadcast %broadcast_in_dim3A_189 : vector<256x1xf32> to vector<256x2048xf32>
    %le3A_191 = arith.cmpf ole, %select_n3A_186, %le3A_190 : vector<256x2048xf32>
    %jit3A_192 = arith.constant 2.048000e+03 : f32
    %broadcast_in_dim3A_193 = vector.broadcast %jit3A_192 : f32 to vector<256x2048xf32>
    %select_n3A_194 = arith.select %le3A_191, %convert_element_type3A_60, %broadcast_in_dim3A_193 : vector<256x2048xi1>, vector<256x2048xf32>
    %reduce_min3A_195 = arith.constant dense<0x7F800000> : vector<256xf32>
    %reduce_min3A_196 = vector.multi_reduction <minimumf>, %select_n3A_194, %reduce_min3A_195 [1] : vector<256x2048xf32> to vector<256xf32>
    %broadcast_in_dim3A_197 = vector.shape_cast %reduce_min3A_196 : vector<256xf32> to vector<256x1xf32>
    %squeeze3A_198 = vector.shape_cast %broadcast_in_dim3A_197 : vector<256x1xf32> to vector<256xf32>
    %convert_element_type3A_199 = arith.fptosi %squeeze3A_198 : vector<256xf32> to vector<256xi32>
    %add3A_200 = vector.broadcast %mul3A_62 : i32 to vector<256xi32>
    %add3A_201 = arith.addi %convert_element_type3A_199, %add3A_200 : vector<256xi32>
    %swap3A_202 = arith.constant 0 : index
    %swap3A_203 = arith.constant 0 : index
    %swap3A_204 = arith.constant 5 : index
    %swap3A_205 = vector.load %arg7[%swap3A_202, %swap3A_203, %swap3A_204] : memref<1x256x16xi32, #tpu.memory_space<vmem>>, vector<1x256x1xi32>
    %swap3A_206 = vector.shape_cast %swap3A_205 : vector<1x256x1xi32> to vector<256xi32>
    %swap3A_207 = vector.shape_cast %add3A_201 : vector<256xi32> to vector<1x256x1xi32>
    tpu.vector_store %arg7[%swap3A_202, %swap3A_203, %swap3A_204], %swap3A_207 {strides = array<i32>} : memref<1x256x16xi32, #tpu.memory_space<vmem>>, vector<1x256x1xi32>,
    %eq3A_208 = vector.broadcast %broadcast_in_dim3A_197 : vector<256x1xf32> to vector<256x2048xf32>
    %eq3A_209 = arith.cmpf oeq, %select_n3A_194, %eq3A_208 : vector<256x2048xf32>
    %jit3A_210 = arith.constant 0x7F800000 : f32
    %broadcast_in_dim3A_211 = vector.broadcast %jit3A_210 : f32 to vector<256x2048xf32>
    %select_n3A_212 = arith.select %eq3A_209, %broadcast_in_dim3A_211, %select_n3A_186 : vector<256x2048xi1>, vector<256x2048xf32>
    %reduce_min3A_213 = arith.constant dense<0x7F800000> : vector<256xf32>
    %reduce_min3A_214 = vector.multi_reduction <minimumf>, %select_n3A_212, %reduce_min3A_213 [1] : vector<256x2048xf32> to vector<256xf32>
    %broadcast_in_dim3A_215 = vector.shape_cast %reduce_min3A_214 : vector<256xf32> to vector<256x1xf32>
    %le3A_216 = vector.broadcast %broadcast_in_dim3A_215 : vector<256x1xf32> to vector<256x2048xf32>
    %le3A_217 = arith.cmpf ole, %select_n3A_212, %le3A_216 : vector<256x2048xf32>
    %jit3A_218 = arith.constant 2.048000e+03 : f32
    %broadcast_in_dim3A_219 = vector.broadcast %jit3A_218 : f32 to vector<256x2048xf32>
    %select_n3A_220 = arith.select %le3A_217, %convert_element_type3A_60, %broadcast_in_dim3A_219 : vector<256x2048xi1>, vector<256x2048xf32>
    %reduce_min3A_221 = arith.constant dense<0x7F800000> : vector<256xf32>
    %reduce_min3A_222 = vector.multi_reduction <minimumf>, %select_n3A_220, %reduce_min3A_221 [1] : vector<256x2048xf32> to vector<256xf32>
    %broadcast_in_dim3A_223 = vector.shape_cast %reduce_min3A_222 : vector<256xf32> to vector<256x1xf32>
    %squeeze3A_224 = vector.shape_cast %broadcast_in_dim3A_223 : vector<256x1xf32> to vector<256xf32>
    %convert_element_type3A_225 = arith.fptosi %squeeze3A_224 : vector<256xf32> to vector<256xi32>
    %add3A_226 = vector.broadcast %mul3A_62 : i32 to vector<256xi32>
    %add3A_227 = arith.addi %convert_element_type3A_225, %add3A_226 : vector<256xi32>
    %swap3A_228 = arith.constant 0 : index
    %swap3A_229 = arith.constant 0 : index
    %swap3A_230 = arith.constant 6 : index
    %swap3A_231 = vector.load %arg7[%swap3A_228, %swap3A_229, %swap3A_230] : memref<1x256x16xi32, #tpu.memory_space<vmem>>, vector<1x256x1xi32>
    %swap3A_232 = vector.shape_cast %swap3A_231 : vector<1x256x1xi32> to vector<256xi32>
    %swap3A_233 = vector.shape_cast %add3A_227 : vector<256xi32> to vector<1x256x1xi32>
    tpu.vector_store %arg7[%swap3A_228, %swap3A_229, %swap3A_230], %swap3A_233 {strides = array<i32>} : memref<1x256x16xi32, #tpu.memory_space<vmem>>, vector<1x256x1xi32>,
    %eq3A_234 = vector.broadcast %broadcast_in_dim3A_223 : vector<256x1xf32> to vector<256x2048xf32>
    %eq3A_235 = arith.cmpf oeq, %select_n3A_220, %eq3A_234 : vector<256x2048xf32>
    %jit3A_236 = arith.constant 0x7F800000 : f32
    %broadcast_in_dim3A_237 = vector.broadcast %jit3A_236 : f32 to vector<256x2048xf32>
    %select_n3A_238 = arith.select %eq3A_235, %broadcast_in_dim3A_237, %select_n3A_212 : vector<256x2048xi1>, vector<256x2048xf32>
    %reduce_min3A_239 = arith.constant dense<0x7F800000> : vector<256xf32>
    %reduce_min3A_240 = vector.multi_reduction <minimumf>, %select_n3A_238, %reduce_min3A_239 [1] : vector<256x2048xf32> to vector<256xf32>
    %broadcast_in_dim3A_241 = vector.shape_cast %reduce_min3A_240 : vector<256xf32> to vector<256x1xf32>
    %le3A_242 = vector.broadcast %broadcast_in_dim3A_241 : vector<256x1xf32> to vector<256x2048xf32>
    %le3A_243 = arith.cmpf ole, %select_n3A_238, %le3A_242 : vector<256x2048xf32>
    %jit3A_244 = arith.constant 2.048000e+03 : f32
    %broadcast_in_dim3A_245 = vector.broadcast %jit3A_244 : f32 to vector<256x2048xf32>
    %select_n3A_246 = arith.select %le3A_243, %convert_element_type3A_60, %broadcast_in_dim3A_245 : vector<256x2048xi1>, vector<256x2048xf32>
    %reduce_min3A_247 = arith.constant dense<0x7F800000> : vector<256xf32>
    %reduce_min3A_248 = vector.multi_reduction <minimumf>, %select_n3A_246, %reduce_min3A_247 [1] : vector<256x2048xf32> to vector<256xf32>
    %broadcast_in_dim3A_249 = vector.shape_cast %reduce_min3A_248 : vector<256xf32> to vector<256x1xf32>
    %squeeze3A_250 = vector.shape_cast %broadcast_in_dim3A_249 : vector<256x1xf32> to vector<256xf32>
    %convert_element_type3A_251 = arith.fptosi %squeeze3A_250 : vector<256xf32> to vector<256xi32>
    %add3A_252 = vector.broadcast %mul3A_62 : i32 to vector<256xi32>
    %add3A_253 = arith.addi %convert_element_type3A_251, %add3A_252 : vector<256xi32>
    %swap3A_254 = arith.constant 0 : index
    %swap3A_255 = arith.constant 0 : index
    %swap3A_256 = arith.constant 7 : index
    %swap3A_257 = vector.load %arg7[%swap3A_254, %swap3A_255, %swap3A_256] : memref<1x256x16xi32, #tpu.memory_space<vmem>>, vector<1x256x1xi32>
    %swap3A_258 = vector.shape_cast %swap3A_257 : vector<1x256x1xi32> to vector<256xi32>
    %swap3A_259 = vector.shape_cast %add3A_253 : vector<256xi32> to vector<1x256x1xi32>
    tpu.vector_store %arg7[%swap3A_254, %swap3A_255, %swap3A_256], %swap3A_259 {strides = array<i32>} : memref<1x256x16xi32, #tpu.memory_space<vmem>>, vector<1x256x1xi32>,
    %eq3A_260 = vector.broadcast %broadcast_in_dim3A_249 : vector<256x1xf32> to vector<256x2048xf32>
    %eq3A_261 = arith.cmpf oeq, %select_n3A_246, %eq3A_260 : vector<256x2048xf32>
    %jit3A_262 = arith.constant 0x7F800000 : f32
    %broadcast_in_dim3A_263 = vector.broadcast %jit3A_262 : f32 to vector<256x2048xf32>
    %select_n3A_264 = arith.select %eq3A_261, %broadcast_in_dim3A_263, %select_n3A_238 : vector<256x2048xi1>, vector<256x2048xf32>
    %reduce_min3A_265 = arith.constant dense<0x7F800000> : vector<256xf32>
    %reduce_min3A_266 = vector.multi_reduction <minimumf>, %select_n3A_264, %reduce_min3A_265 [1] : vector<256x2048xf32> to vector<256xf32>
    %broadcast_in_dim3A_267 = vector.shape_cast %reduce_min3A_266 : vector<256xf32> to vector<256x1xf32>
    %le3A_268 = vector.broadcast %broadcast_in_dim3A_267 : vector<256x1xf32> to vector<256x2048xf32>
    %le3A_269 = arith.cmpf ole, %select_n3A_264, %le3A_268 : vector<256x2048xf32>
    %jit3A_270 = arith.constant 2.048000e+03 : f32
    %broadcast_in_dim3A_271 = vector.broadcast %jit3A_270 : f32 to vector<256x2048xf32>
    %select_n3A_272 = arith.select %le3A_269, %convert_element_type3A_60, %broadcast_in_dim3A_271 : vector<256x2048xi1>, vector<256x2048xf32>
    %reduce_min3A_273 = arith.constant dense<0x7F800000> : vector<256xf32>
    %reduce_min3A_274 = vector.multi_reduction <minimumf>, %select_n3A_272, %reduce_min3A_273 [1] : vector<256x2048xf32> to vector<256xf32>
    %broadcast_in_dim3A_275 = vector.shape_cast %reduce_min3A_274 : vector<256xf32> to vector<256x1xf32>
    %squeeze3A_276 = vector.shape_cast %broadcast_in_dim3A_275 : vector<256x1xf32> to vector<256xf32>
    %convert_element_type3A_277 = arith.fptosi %squeeze3A_276 : vector<256xf32> to vector<256xi32>
    %add3A_278 = vector.broadcast %mul3A_62 : i32 to vector<256xi32>
    %add3A_279 = arith.addi %convert_element_type3A_277, %add3A_278 : vector<256xi32>
    %swap3A_280 = arith.constant 0 : index
    %swap3A_281 = arith.constant 0 : index
    %swap3A_282 = arith.constant 8 : index
    %swap3A_283 = vector.load %arg7[%swap3A_280, %swap3A_281, %swap3A_282] : memref<1x256x16xi32, #tpu.memory_space<vmem>>, vector<1x256x1xi32>
    %swap3A_284 = vector.shape_cast %swap3A_283 : vector<1x256x1xi32> to vector<256xi32>
    %swap3A_285 = vector.shape_cast %add3A_279 : vector<256xi32> to vector<1x256x1xi32>
    tpu.vector_store %arg7[%swap3A_280, %swap3A_281, %swap3A_282], %swap3A_285 {strides = array<i32>} : memref<1x256x16xi32, #tpu.memory_space<vmem>>, vector<1x256x1xi32>,
    %eq3A_286 = vector.broadcast %broadcast_in_dim3A_275 : vector<256x1xf32> to vector<256x2048xf32>
    %eq3A_287 = arith.cmpf oeq, %select_n3A_272, %eq3A_286 : vector<256x2048xf32>
    %jit3A_288 = arith.constant 0x7F800000 : f32
    %broadcast_in_dim3A_289 = vector.broadcast %jit3A_288 : f32 to vector<256x2048xf32>
    %select_n3A_290 = arith.select %eq3A_287, %broadcast_in_dim3A_289, %select_n3A_264 : vector<256x2048xi1>, vector<256x2048xf32>
    %reduce_min3A_291 = arith.constant dense<0x7F800000> : vector<256xf32>
    %reduce_min3A_292 = vector.multi_reduction <minimumf>, %select_n3A_290, %reduce_min3A_291 [1] : vector<256x2048xf32> to vector<256xf32>
    %broadcast_in_dim3A_293 = vector.shape_cast %reduce_min3A_292 : vector<256xf32> to vector<256x1xf32>
    %le3A_294 = vector.broadcast %broadcast_in_dim3A_293 : vector<256x1xf32> to vector<256x2048xf32>
    %le3A_295 = arith.cmpf ole, %select_n3A_290, %le3A_294 : vector<256x2048xf32>
    %jit3A_296 = arith.constant 2.048000e+03 : f32
    %broadcast_in_dim3A_297 = vector.broadcast %jit3A_296 : f32 to vector<256x2048xf32>
    %select_n3A_298 = arith.select %le3A_295, %convert_element_type3A_60, %broadcast_in_dim3A_297 : vector<256x2048xi1>, vector<256x2048xf32>
    %reduce_min3A_299 = arith.constant dense<0x7F800000> : vector<256xf32>
    %reduce_min3A_300 = vector.multi_reduction <minimumf>, %select_n3A_298, %reduce_min3A_299 [1] : vector<256x2048xf32> to vector<256xf32>
    %broadcast_in_dim3A_301 = vector.shape_cast %reduce_min3A_300 : vector<256xf32> to vector<256x1xf32>
    %squeeze3A_302 = vector.shape_cast %broadcast_in_dim3A_301 : vector<256x1xf32> to vector<256xf32>
    %convert_element_type3A_303 = arith.fptosi %squeeze3A_302 : vector<256xf32> to vector<256xi32>
    %add3A_304 = vector.broadcast %mul3A_62 : i32 to vector<256xi32>
    %add3A_305 = arith.addi %convert_element_type3A_303, %add3A_304 : vector<256xi32>
    %swap3A_306 = arith.constant 0 : index
    %swap3A_307 = arith.constant 0 : index
    %swap3A_308 = arith.constant 9 : index
    %swap3A_309 = vector.load %arg7[%swap3A_306, %swap3A_307, %swap3A_308] : memref<1x256x16xi32, #tpu.memory_space<vmem>>, vector<1x256x1xi32>
    %swap3A_310 = vector.shape_cast %swap3A_309 : vector<1x256x1xi32> to vector<256xi32>
    %swap3A_311 = vector.shape_cast %add3A_305 : vector<256xi32> to vector<1x256x1xi32>
    tpu.vector_store %arg7[%swap3A_306, %swap3A_307, %swap3A_308], %swap3A_311 {strides = array<i32>} : memref<1x256x16xi32, #tpu.memory_space<vmem>>, vector<1x256x1xi32>,
    %eq3A_312 = vector.broadcast %broadcast_in_dim3A_301 : vector<256x1xf32> to vector<256x2048xf32>
    %eq3A_313 = arith.cmpf oeq, %select_n3A_298, %eq3A_312 : vector<256x2048xf32>
    %jit3A_314 = arith.constant 0x7F800000 : f32
    %broadcast_in_dim3A_315 = vector.broadcast %jit3A_314 : f32 to vector<256x2048xf32>
    %select_n3A_316 = arith.select %eq3A_313, %broadcast_in_dim3A_315, %select_n3A_290 : vector<256x2048xi1>, vector<256x2048xf32>
    %reduce_min3A_317 = arith.constant dense<0x7F800000> : vector<256xf32>
    %reduce_min3A_318 = vector.multi_reduction <minimumf>, %select_n3A_316, %reduce_min3A_317 [1] : vector<256x2048xf32> to vector<256xf32>
    %broadcast_in_dim3A_319 = vector.shape_cast %reduce_min3A_318 : vector<256xf32> to vector<256x1xf32>
    %le3A_320 = vector.broadcast %broadcast_in_dim3A_319 : vector<256x1xf32> to vector<256x2048xf32>
    %le3A_321 = arith.cmpf ole, %select_n3A_316, %le3A_320 : vector<256x2048xf32>
    %jit3A_322 = arith.constant 2.048000e+03 : f32
    %broadcast_in_dim3A_323 = vector.broadcast %jit3A_322 : f32 to vector<256x2048xf32>
    %select_n3A_324 = arith.select %le3A_321, %convert_element_type3A_60, %broadcast_in_dim3A_323 : vector<256x2048xi1>, vector<256x2048xf32>
    %reduce_min3A_325 = arith.constant dense<0x7F800000> : vector<256xf32>
    %reduce_min3A_326 = vector.multi_reduction <minimumf>, %select_n3A_324, %reduce_min3A_325 [1] : vector<256x2048xf32> to vector<256xf32>
    %broadcast_in_dim3A_327 = vector.shape_cast %reduce_min3A_326 : vector<256xf32> to vector<256x1xf32>
    %squeeze3A_328 = vector.shape_cast %broadcast_in_dim3A_327 : vector<256x1xf32> to vector<256xf32>
    %convert_element_type3A_329 = arith.fptosi %squeeze3A_328 : vector<256xf32> to vector<256xi32>
    %add3A_330 = vector.broadcast %mul3A_62 : i32 to vector<256xi32>
    %add3A_331 = arith.addi %convert_element_type3A_329, %add3A_330 : vector<256xi32>
    %swap3A_332 = arith.constant 0 : index
    %swap3A_333 = arith.constant 0 : index
    %swap3A_334 = arith.constant 10 : index
    %swap3A_335 = vector.load %arg7[%swap3A_332, %swap3A_333, %swap3A_334] : memref<1x256x16xi32, #tpu.memory_space<vmem>>, vector<1x256x1xi32>
    %swap3A_336 = vector.shape_cast %swap3A_335 : vector<1x256x1xi32> to vector<256xi32>
    %swap3A_337 = vector.shape_cast %add3A_331 : vector<256xi32> to vector<1x256x1xi32>
    tpu.vector_store %arg7[%swap3A_332, %swap3A_333, %swap3A_334], %swap3A_337 {strides = array<i32>} : memref<1x256x16xi32, #tpu.memory_space<vmem>>, vector<1x256x1xi32>,
    %eq3A_338 = vector.broadcast %broadcast_in_dim3A_327 : vector<256x1xf32> to vector<256x2048xf32>
    %eq3A_339 = arith.cmpf oeq, %select_n3A_324, %eq3A_338 : vector<256x2048xf32>
    %jit3A_340 = arith.constant 0x7F800000 : f32
    %broadcast_in_dim3A_341 = vector.broadcast %jit3A_340 : f32 to vector<256x2048xf32>
    %select_n3A_342 = arith.select %eq3A_339, %broadcast_in_dim3A_341, %select_n3A_316 : vector<256x2048xi1>, vector<256x2048xf32>
    %reduce_min3A_343 = arith.constant dense<0x7F800000> : vector<256xf32>
    %reduce_min3A_344 = vector.multi_reduction <minimumf>, %select_n3A_342, %reduce_min3A_343 [1] : vector<256x2048xf32> to vector<256xf32>
    %broadcast_in_dim3A_345 = vector.shape_cast %reduce_min3A_344 : vector<256xf32> to vector<256x1xf32>
    %le3A_346 = vector.broadcast %broadcast_in_dim3A_345 : vector<256x1xf32> to vector<256x2048xf32>
    %le3A_347 = arith.cmpf ole, %select_n3A_342, %le3A_346 : vector<256x2048xf32>
    %jit3A_348 = arith.constant 2.048000e+03 : f32
    %broadcast_in_dim3A_349 = vector.broadcast %jit3A_348 : f32 to vector<256x2048xf32>
    %select_n3A_350 = arith.select %le3A_347, %convert_element_type3A_60, %broadcast_in_dim3A_349 : vector<256x2048xi1>, vector<256x2048xf32>
    %reduce_min3A_351 = arith.constant dense<0x7F800000> : vector<256xf32>
    %reduce_min3A_352 = vector.multi_reduction <minimumf>, %select_n3A_350, %reduce_min3A_351 [1] : vector<256x2048xf32> to vector<256xf32>
    %broadcast_in_dim3A_353 = vector.shape_cast %reduce_min3A_352 : vector<256xf32> to vector<256x1xf32>
    %squeeze3A_354 = vector.shape_cast %broadcast_in_dim3A_353 : vector<256x1xf32> to vector<256xf32>
    %convert_element_type3A_355 = arith.fptosi %squeeze3A_354 : vector<256xf32> to vector<256xi32>
    %add3A_356 = vector.broadcast %mul3A_62 : i32 to vector<256xi32>
    %add3A_357 = arith.addi %convert_element_type3A_355, %add3A_356 : vector<256xi32>
    %swap3A_358 = arith.constant 0 : index
    %swap3A_359 = arith.constant 0 : index
    %swap3A_360 = arith.constant 11 : index
    %swap3A_361 = vector.load %arg7[%swap3A_358, %swap3A_359, %swap3A_360] : memref<1x256x16xi32, #tpu.memory_space<vmem>>, vector<1x256x1xi32>
    %swap3A_362 = vector.shape_cast %swap3A_361 : vector<1x256x1xi32> to vector<256xi32>
    %swap3A_363 = vector.shape_cast %add3A_357 : vector<256xi32> to vector<1x256x1xi32>
    tpu.vector_store %arg7[%swap3A_358, %swap3A_359, %swap3A_360], %swap3A_363 {strides = array<i32>} : memref<1x256x16xi32, #tpu.memory_space<vmem>>, vector<1x256x1xi32>,
    %eq3A_364 = vector.broadcast %broadcast_in_dim3A_353 : vector<256x1xf32> to vector<256x2048xf32>
    %eq3A_365 = arith.cmpf oeq, %select_n3A_350, %eq3A_364 : vector<256x2048xf32>
    %jit3A_366 = arith.constant 0x7F800000 : f32
    %broadcast_in_dim3A_367 = vector.broadcast %jit3A_366 : f32 to vector<256x2048xf32>
    %select_n3A_368 = arith.select %eq3A_365, %broadcast_in_dim3A_367, %select_n3A_342 : vector<256x2048xi1>, vector<256x2048xf32>
    %reduce_min3A_369 = arith.constant dense<0x7F800000> : vector<256xf32>
    %reduce_min3A_370 = vector.multi_reduction <minimumf>, %select_n3A_368, %reduce_min3A_369 [1] : vector<256x2048xf32> to vector<256xf32>
    %broadcast_in_dim3A_371 = vector.shape_cast %reduce_min3A_370 : vector<256xf32> to vector<256x1xf32>
    %le3A_372 = vector.broadcast %broadcast_in_dim3A_371 : vector<256x1xf32> to vector<256x2048xf32>
    %le3A_373 = arith.cmpf ole, %select_n3A_368, %le3A_372 : vector<256x2048xf32>
    %jit3A_374 = arith.constant 2.048000e+03 : f32
    %broadcast_in_dim3A_375 = vector.broadcast %jit3A_374 : f32 to vector<256x2048xf32>
    %select_n3A_376 = arith.select %le3A_373, %convert_element_type3A_60, %broadcast_in_dim3A_375 : vector<256x2048xi1>, vector<256x2048xf32>
    %reduce_min3A_377 = arith.constant dense<0x7F800000> : vector<256xf32>
    %reduce_min3A_378 = vector.multi_reduction <minimumf>, %select_n3A_376, %reduce_min3A_377 [1] : vector<256x2048xf32> to vector<256xf32>
    %broadcast_in_dim3A_379 = vector.shape_cast %reduce_min3A_378 : vector<256xf32> to vector<256x1xf32>
    %squeeze3A_380 = vector.shape_cast %broadcast_in_dim3A_379 : vector<256x1xf32> to vector<256xf32>
    %convert_element_type3A_381 = arith.fptosi %squeeze3A_380 : vector<256xf32> to vector<256xi32>
    %add3A_382 = vector.broadcast %mul3A_62 : i32 to vector<256xi32>
    %add3A_383 = arith.addi %convert_element_type3A_381, %add3A_382 : vector<256xi32>
    %swap3A_384 = arith.constant 0 : index
    %swap3A_385 = arith.constant 0 : index
    %swap3A_386 = arith.constant 12 : index
    %swap3A_387 = vector.load %arg7[%swap3A_384, %swap3A_385, %swap3A_386] : memref<1x256x16xi32, #tpu.memory_space<vmem>>, vector<1x256x1xi32>
    %swap3A_388 = vector.shape_cast %swap3A_387 : vector<1x256x1xi32> to vector<256xi32>
    %swap3A_389 = vector.shape_cast %add3A_383 : vector<256xi32> to vector<1x256x1xi32>
    tpu.vector_store %arg7[%swap3A_384, %swap3A_385, %swap3A_386], %swap3A_389 {strides = array<i32>} : memref<1x256x16xi32, #tpu.memory_space<vmem>>, vector<1x256x1xi32>,
    %eq3A_390 = vector.broadcast %broadcast_in_dim3A_379 : vector<256x1xf32> to vector<256x2048xf32>
    %eq3A_391 = arith.cmpf oeq, %select_n3A_376, %eq3A_390 : vector<256x2048xf32>
    %jit3A_392 = arith.constant 0x7F800000 : f32
    %broadcast_in_dim3A_393 = vector.broadcast %jit3A_392 : f32 to vector<256x2048xf32>
    %select_n3A_394 = arith.select %eq3A_391, %broadcast_in_dim3A_393, %select_n3A_368 : vector<256x2048xi1>, vector<256x2048xf32>
    %reduce_min3A_395 = arith.constant dense<0x7F800000> : vector<256xf32>
    %reduce_min3A_396 = vector.multi_reduction <minimumf>, %select_n3A_394, %reduce_min3A_395 [1] : vector<256x2048xf32> to vector<256xf32>
    %broadcast_in_dim3A_397 = vector.shape_cast %reduce_min3A_396 : vector<256xf32> to vector<256x1xf32>
    %le3A_398 = vector.broadcast %broadcast_in_dim3A_397 : vector<256x1xf32> to vector<256x2048xf32>
    %le3A_399 = arith.cmpf ole, %select_n3A_394, %le3A_398 : vector<256x2048xf32>
    %jit3A_400 = arith.constant 2.048000e+03 : f32
    %broadcast_in_dim3A_401 = vector.broadcast %jit3A_400 : f32 to vector<256x2048xf32>
    %select_n3A_402 = arith.select %le3A_399, %convert_element_type3A_60, %broadcast_in_dim3A_401 : vector<256x2048xi1>, vector<256x2048xf32>
    %reduce_min3A_403 = arith.constant dense<0x7F800000> : vector<256xf32>
    %reduce_min3A_404 = vector.multi_reduction <minimumf>, %select_n3A_402, %reduce_min3A_403 [1] : vector<256x2048xf32> to vector<256xf32>
    %broadcast_in_dim3A_405 = vector.shape_cast %reduce_min3A_404 : vector<256xf32> to vector<256x1xf32>
    %squeeze3A_406 = vector.shape_cast %broadcast_in_dim3A_405 : vector<256x1xf32> to vector<256xf32>
    %convert_element_type3A_407 = arith.fptosi %squeeze3A_406 : vector<256xf32> to vector<256xi32>
    %add3A_408 = vector.broadcast %mul3A_62 : i32 to vector<256xi32>
    %add3A_409 = arith.addi %convert_element_type3A_407, %add3A_408 : vector<256xi32>
    %swap3A_410 = arith.constant 0 : index
    %swap3A_411 = arith.constant 0 : index
    %swap3A_412 = arith.constant 13 : index
    %swap3A_413 = vector.load %arg7[%swap3A_410, %swap3A_411, %swap3A_412] : memref<1x256x16xi32, #tpu.memory_space<vmem>>, vector<1x256x1xi32>
    %swap3A_414 = vector.shape_cast %swap3A_413 : vector<1x256x1xi32> to vector<256xi32>
    %swap3A_415 = vector.shape_cast %add3A_409 : vector<256xi32> to vector<1x256x1xi32>
    tpu.vector_store %arg7[%swap3A_410, %swap3A_411, %swap3A_412], %swap3A_415 {strides = array<i32>} : memref<1x256x16xi32, #tpu.memory_space<vmem>>, vector<1x256x1xi32>,
    %eq3A_416 = vector.broadcast %broadcast_in_dim3A_405 : vector<256x1xf32> to vector<256x2048xf32>
    %eq3A_417 = arith.cmpf oeq, %select_n3A_402, %eq3A_416 : vector<256x2048xf32>
    %jit3A_418 = arith.constant 0x7F800000 : f32
    %broadcast_in_dim3A_419 = vector.broadcast %jit3A_418 : f32 to vector<256x2048xf32>
    %select_n3A_420 = arith.select %eq3A_417, %broadcast_in_dim3A_419, %select_n3A_394 : vector<256x2048xi1>, vector<256x2048xf32>
    %reduce_min3A_421 = arith.constant dense<0x7F800000> : vector<256xf32>
    %reduce_min3A_422 = vector.multi_reduction <minimumf>, %select_n3A_420, %reduce_min3A_421 [1] : vector<256x2048xf32> to vector<256xf32>
    %broadcast_in_dim3A_423 = vector.shape_cast %reduce_min3A_422 : vector<256xf32> to vector<256x1xf32>
    %le3A_424 = vector.broadcast %broadcast_in_dim3A_423 : vector<256x1xf32> to vector<256x2048xf32>
    %le3A_425 = arith.cmpf ole, %select_n3A_420, %le3A_424 : vector<256x2048xf32>
    %jit3A_426 = arith.constant 2.048000e+03 : f32
    %broadcast_in_dim3A_427 = vector.broadcast %jit3A_426 : f32 to vector<256x2048xf32>
    %select_n3A_428 = arith.select %le3A_425, %convert_element_type3A_60, %broadcast_in_dim3A_427 : vector<256x2048xi1>, vector<256x2048xf32>
    %reduce_min3A_429 = arith.constant dense<0x7F800000> : vector<256xf32>
    %reduce_min3A_430 = vector.multi_reduction <minimumf>, %select_n3A_428, %reduce_min3A_429 [1] : vector<256x2048xf32> to vector<256xf32>
    %broadcast_in_dim3A_431 = vector.shape_cast %reduce_min3A_430 : vector<256xf32> to vector<256x1xf32>
    %squeeze3A_432 = vector.shape_cast %broadcast_in_dim3A_431 : vector<256x1xf32> to vector<256xf32>
    %convert_element_type3A_433 = arith.fptosi %squeeze3A_432 : vector<256xf32> to vector<256xi32>
    %add3A_434 = vector.broadcast %mul3A_62 : i32 to vector<256xi32>
    %add3A_435 = arith.addi %convert_element_type3A_433, %add3A_434 : vector<256xi32>
    %swap3A_436 = arith.constant 0 : index
    %swap3A_437 = arith.constant 0 : index
    %swap3A_438 = arith.constant 14 : index
    %swap3A_439 = vector.load %arg7[%swap3A_436, %swap3A_437, %swap3A_438] : memref<1x256x16xi32, #tpu.memory_space<vmem>>, vector<1x256x1xi32>
    %swap3A_440 = vector.shape_cast %swap3A_439 : vector<1x256x1xi32> to vector<256xi32>
    %swap3A_441 = vector.shape_cast %add3A_435 : vector<256xi32> to vector<1x256x1xi32>
    tpu.vector_store %arg7[%swap3A_436, %swap3A_437, %swap3A_438], %swap3A_441 {strides = array<i32>} : memref<1x256x16xi32, #tpu.memory_space<vmem>>, vector<1x256x1xi32>,
    %eq3A_442 = vector.broadcast %broadcast_in_dim3A_431 : vector<256x1xf32> to vector<256x2048xf32>
    %eq3A_443 = arith.cmpf oeq, %select_n3A_428, %eq3A_442 : vector<256x2048xf32>
    %jit3A_444 = arith.constant 0x7F800000 : f32
    %broadcast_in_dim3A_445 = vector.broadcast %jit3A_444 : f32 to vector<256x2048xf32>
    %select_n3A_446 = arith.select %eq3A_443, %broadcast_in_dim3A_445, %select_n3A_420 : vector<256x2048xi1>, vector<256x2048xf32>
    %reduce_min3A_447 = arith.constant dense<0x7F800000> : vector<256xf32>
    %reduce_min3A_448 = vector.multi_reduction <minimumf>, %select_n3A_446, %reduce_min3A_447 [1] : vector<256x2048xf32> to vector<256xf32>
    %broadcast_in_dim3A_449 = vector.shape_cast %reduce_min3A_448 : vector<256xf32> to vector<256x1xf32>
    %le3A_450 = vector.broadcast %broadcast_in_dim3A_449 : vector<256x1xf32> to vector<256x2048xf32>
    %le3A_451 = arith.cmpf ole, %select_n3A_446, %le3A_450 : vector<256x2048xf32>
    %jit3A_452 = arith.constant 2.048000e+03 : f32
    %broadcast_in_dim3A_453 = vector.broadcast %jit3A_452 : f32 to vector<256x2048xf32>
    %select_n3A_454 = arith.select %le3A_451, %convert_element_type3A_60, %broadcast_in_dim3A_453 : vector<256x2048xi1>, vector<256x2048xf32>
    %reduce_min3A_455 = arith.constant dense<0x7F800000> : vector<256xf32>
    %reduce_min3A_456 = vector.multi_reduction <minimumf>, %select_n3A_454, %reduce_min3A_455 [1] : vector<256x2048xf32> to vector<256xf32>
    %broadcast_in_dim3A_457 = vector.shape_cast %reduce_min3A_456 : vector<256xf32> to vector<256x1xf32>
    %squeeze3A_458 = vector.shape_cast %broadcast_in_dim3A_457 : vector<256x1xf32> to vector<256xf32>
    %convert_element_type3A_459 = arith.fptosi %squeeze3A_458 : vector<256xf32> to vector<256xi32>
    %add3A_460 = vector.broadcast %mul3A_62 : i32 to vector<256xi32>
    %add3A_461 = arith.addi %convert_element_type3A_459, %add3A_460 : vector<256xi32>
    %swap3A_462 = arith.constant 0 : index
    %swap3A_463 = arith.constant 0 : index
    %swap3A_464 = arith.constant 15 : index
    %swap3A_465 = vector.load %arg7[%swap3A_462, %swap3A_463, %swap3A_464] : memref<1x256x16xi32, #tpu.memory_space<vmem>>, vector<1x256x1xi32>
    %swap3A_466 = vector.shape_cast %swap3A_465 : vector<1x256x1xi32> to vector<256xi32>
    %swap3A_467 = vector.shape_cast %add3A_461 : vector<256xi32> to vector<1x256x1xi32>
    tpu.vector_store %arg7[%swap3A_462, %swap3A_463, %swap3A_464], %swap3A_467 {strides = array<i32>} : memref<1x256x16xi32, #tpu.memory_space<vmem>>, vector<1x256x1xi32>,
    return
  }
  func.func @transform_0(%arg0: i32, %arg1: i32) -> (i32, i32, i32) {
    %c0_i32 = arith.constant 0 : i32
    %c0_i32_0 = arith.constant 0 : i32
    %c0_i32_1 = arith.constant 0 : i32
    return %arg0, %c0_i32, %c0_i32_0 : i32, i32, i32
  }
  func.func @transform_1(%arg0: i32, %arg1: i32) -> (i32, i32) {
    %c0_i32 = arith.constant 0 : i32
    %c0_i32_0 = arith.constant 0 : i32
    %c0_i32_1 = arith.constant 0 : i32
    return %c0_i32, %c0_i32_0 : i32, i32
  }
  func.func @transform_2(%arg0: i32, %arg1: i32) -> (i32, i32) {
    %c0_i32 = arith.constant 0 : i32
    %c0_i32_0 = arith.constant 0 : i32
    %c0_i32_1 = arith.constant 0 : i32
    return %c0_i32, %c0_i32_0 : i32, i32
  }
  func.func @transform_3(%arg0: i32, %arg1: i32) -> (i32, i32) {
    %c0_i32 = arith.constant 0 : i32
    %c0_i32_0 = arith.constant 0 : i32
    %c0_i32_1 = arith.constant 0 : i32
    return %c0_i32, %c0_i32_0 : i32, i32
  }
  func.func @transform_4(%arg0: i32, %arg1: i32) -> (i32, i32) {
    %c0_i32 = arith.constant 0 : i32
    %c0_i32_0 = arith.constant 0 : i32
    %c0_i32_1 = arith.constant 0 : i32
    return %c0_i32, %c0_i32_0 : i32, i32
  }
  func.func @transform_5(%arg0: i32, %arg1: i32) -> (i32, i32, i32) {
    %c0_i32 = arith.constant 0 : i32
    %c0_i32_0 = arith.constant 0 : i32
    return %arg0, %arg1, %c0_i32 : i32, i32, i32
  }
  func.func @transform_6(%arg0: i32, %arg1: i32) -> (i32, i32, i32) {
    %c0_i32 = arith.constant 0 : i32
    %c0_i32_0 = arith.constant 0 : i32
    %c0_i32_1 = arith.constant 0 : i32
    return %arg0, %c0_i32, %c0_i32_0 : i32, i32, i32
  }
}

module attributes {stable_mosaic.version = 14 : i64} {
  func.func @_var_kernel(%arg0: i32, %arg1: memref<1x2048x64xf32, #tpu.memory_space<vmem>>, %arg2: memref<1x64xf32, #tpu.memory_space<vmem>>, %arg3: memref<1x64xf32, #tpu.memory_space<vmem>>) attributes {dimension_semantics = [#tpu.dimension_semantics<arbitrary>], iteration_bounds = array<i64: 16>, scalar_prefetch = 0 : i64, scratch_operands = 0 : i64, tpu.core_type = #tpu.core_type<tc>, window_params = [{transform_indices = @transform_0, window_bounds = array<i64: 1, 2048, 64>}, {pipeline_mode = #tpu.pipeline_mode<synchronous>, transform_indices = @transform_1, window_bounds = array<i64: 1, 64>}, {pipeline_mode = #tpu.pipeline_mode<synchronous>, transform_indices = @transform_2, window_bounds = array<i64: 1, 64>}]} {
    %get3A = arith.constant 0 : index
    %get3A_0 = arith.constant 0 : index
    %get3A_1 = arith.constant 0 : index
    %get3A_2 = vector.load %arg1[%get3A, %get3A_0, %get3A_1] : memref<1x2048x64xf32, #tpu.memory_space<vmem>>, vector<1x2048x64xf32>
    %get3A_3 = vector.shape_cast %get3A_2 : vector<1x2048x64xf32> to vector<2048x64xf32>
    %get3A_4 = arith.constant 0 : index
    %get3A_5 = arith.constant 0 : index
    %get3A_6 = vector.load %arg2[%get3A_4, %get3A_5] : memref<1x64xf32, #tpu.memory_space<vmem>>, vector<1x64xf32>
    %get3A_7 = vector.shape_cast %get3A_6 : vector<1x64xf32> to vector<64xf32>
    %broadcast_in_dim3A = vector.shape_cast %get3A_7 : vector<64xf32> to vector<1x64xf32>
    %sub3A = vector.broadcast %broadcast_in_dim3A : vector<1x64xf32> to vector<2048x64xf32>
    %sub3A_8 = arith.subf %get3A_3, %sub3A : vector<2048x64xf32>
    %mul3A = arith.mulf %sub3A_8, %sub3A_8 : vector<2048x64xf32>
    %reduce_sum3A = arith.constant dense<0.000000e+00> : vector<64xf32>
    %reduce_sum3A_9 = vector.multi_reduction <add>, %mul3A, %reduce_sum3A [0] : vector<2048x64xf32> to vector<64xf32>
    %eq3A = arith.constant 0 : i32
    %eq3A_10 = arith.cmpi eq, %arg0, %eq3A : i32
    %convert_element_type3A = arith.extui %eq3A_10 : i1 to i32
    %cond3A = arith.constant 0 : i32
    %cond3A_11 = arith.cmpi ne, %convert_element_type3A, %cond3A : i32
    scf.if %cond3A_11 {
      %swap3A = arith.constant 0 : index
      %swap3A_16 = arith.constant 0 : index
      %swap3A_17 = vector.load %arg3[%swap3A, %swap3A_16] : memref<1x64xf32, #tpu.memory_space<vmem>>, vector<1x64xf32>
      %swap3A_18 = vector.shape_cast %swap3A_17 : vector<1x64xf32> to vector<64xf32>
      %swap3A_19 = vector.shape_cast %reduce_sum3A_9 : vector<64xf32> to vector<1x64xf32>
      tpu.vector_store %arg3[%swap3A, %swap3A_16], %swap3A_19 {strides = array<i32>} : memref<1x64xf32, #tpu.memory_space<vmem>>, vector<1x64xf32>,
    } else {
    }
    %ne3A = arith.constant 0 : i32
    %ne3A_12 = arith.cmpi ne, %arg0, %ne3A : i32
    %convert_element_type3A_13 = arith.extui %ne3A_12 : i1 to i32
    %cond3A_14 = arith.constant 0 : i32
    %cond3A_15 = arith.cmpi ne, %convert_element_type3A_13, %cond3A_14 : i32
    scf.if %cond3A_15 {
      %get3A_16 = arith.constant 0 : index
      %get3A_17 = arith.constant 0 : index
      %get3A_18 = vector.load %arg3[%get3A_16, %get3A_17] : memref<1x64xf32, #tpu.memory_space<vmem>>, vector<1x64xf32>
      %get3A_19 = vector.shape_cast %get3A_18 : vector<1x64xf32> to vector<64xf32>
      %add3A = arith.addf %get3A_19, %reduce_sum3A_9 : vector<64xf32>
      %swap3A = arith.constant 0 : index
      %swap3A_20 = arith.constant 0 : index
      %swap3A_21 = vector.load %arg3[%swap3A, %swap3A_20] : memref<1x64xf32, #tpu.memory_space<vmem>>, vector<1x64xf32>
      %swap3A_22 = vector.shape_cast %swap3A_21 : vector<1x64xf32> to vector<64xf32>
      %swap3A_23 = vector.shape_cast %add3A : vector<64xf32> to vector<1x64xf32>
      tpu.vector_store %arg3[%swap3A, %swap3A_20], %swap3A_23 {strides = array<i32>} : memref<1x64xf32, #tpu.memory_space<vmem>>, vector<1x64xf32>,
    } else {
    }
    return
  }
  func.func @transform_0(%arg0: i32) -> (i32, i32, i32) {
    %c0_i32 = arith.constant 0 : i32
    %c0_i32_0 = arith.constant 0 : i32
    %c0_i32_1 = arith.constant 0 : i32
    return %arg0, %c0_i32, %c0_i32_0 : i32, i32, i32
  }
  func.func @transform_1(%arg0: i32) -> (i32, i32) {
    %c0_i32 = arith.constant 0 : i32
    %c0_i32_0 = arith.constant 0 : i32
    %c0_i32_1 = arith.constant 0 : i32
    return %c0_i32, %c0_i32_0 : i32, i32
  }
  func.func @transform_2(%arg0: i32) -> (i32, i32) {
    %c0_i32 = arith.constant 0 : i32
    %c0_i32_0 = arith.constant 0 : i32
    %c0_i32_1 = arith.constant 0 : i32
    return %c0_i32, %c0_i32_0 : i32, i32
  }
}

module attributes {stable_mosaic.version = 14 : i64} {
  func.func @_edge_kernel(%arg0: i32, %arg1: i32, %arg2: memref<1x256x128xf32, #tpu.memory_space<vmem>>, %arg3: memref<1x256x16x128xf32, #tpu.memory_space<vmem>>, %arg4: memref<128x128xf32, #tpu.memory_space<vmem>>, %arg5: memref<1x128xf32, #tpu.memory_space<vmem>>, %arg6: memref<128x64xf32, #tpu.memory_space<vmem>>, %arg7: memref<1x64xf32, #tpu.memory_space<vmem>>, %arg8: memref<64x64xf32, #tpu.memory_space<vmem>>, %arg9: memref<1x64xf32, #tpu.memory_space<vmem>>, %arg10: memref<1x256x64xf32, #tpu.memory_space<vmem>>, %arg11: memref<1x1x64xf32, #tpu.memory_space<vmem>>) attributes {dimension_semantics = [#tpu.dimension_semantics<arbitrary>, #tpu.dimension_semantics<arbitrary>], iteration_bounds = array<i64: 4, 8>, scalar_prefetch = 0 : i64, scratch_operands = 0 : i64, tpu.core_type = #tpu.core_type<tc>, window_params = [{transform_indices = @transform_0, window_bounds = array<i64: 1, 256, 128>}, {transform_indices = @transform_1, window_bounds = array<i64: 1, 256, 16, 128>}, {pipeline_mode = #tpu.pipeline_mode<synchronous>, transform_indices = @transform_2, window_bounds = array<i64: 128, 128>}, {pipeline_mode = #tpu.pipeline_mode<synchronous>, transform_indices = @transform_3, window_bounds = array<i64: 1, 128>}, {pipeline_mode = #tpu.pipeline_mode<synchronous>, transform_indices = @transform_4, window_bounds = array<i64: 128, 64>}, {pipeline_mode = #tpu.pipeline_mode<synchronous>, transform_indices = @transform_5, window_bounds = array<i64: 1, 64>}, {pipeline_mode = #tpu.pipeline_mode<synchronous>, transform_indices = @transform_6, window_bounds = array<i64: 64, 64>}, {pipeline_mode = #tpu.pipeline_mode<synchronous>, transform_indices = @transform_7, window_bounds = array<i64: 1, 64>}, {transform_indices = @transform_8, window_bounds = array<i64: 1, 256, 64>}, {transform_indices = @transform_9, window_bounds = array<i64: 1, 1, 64>}]} {
    %get3A = arith.constant 0 : index
    %get3A_0 = arith.constant 0 : index
    %get3A_1 = arith.constant 0 : index
    %get3A_2 = vector.load %arg2[%get3A, %get3A_0, %get3A_1] : memref<1x256x128xf32, #tpu.memory_space<vmem>>, vector<1x256x128xf32>
    %get3A_3 = vector.shape_cast %get3A_2 : vector<1x256x128xf32> to vector<256x128xf32>
    %slice3A = vector.extract_strided_slice %get3A_3 {offsets = [0, 0], sizes = [256, 64], strides = [1, 1]} : vector<256x128xf32> to vector<256x64xf32>
    %get3A_4 = arith.constant 0 : index
    %get3A_5 = arith.constant 0 : index
    %get3A_6 = arith.constant 0 : index
    %get3A_7 = arith.constant 0 : index
    %get3A_8 = vector.load %arg3[%get3A_4, %get3A_5, %get3A_6, %get3A_7] : memref<1x256x16x128xf32, #tpu.memory_space<vmem>>, vector<1x256x16x128xf32>
    %get3A_9 = vector.shape_cast %get3A_8 : vector<1x256x16x128xf32> to vector<256x16x128xf32>
    %slice3A_10 = vector.extract_strided_slice %get3A_9 {offsets = [0, 0, 0], sizes = [256, 16, 64], strides = [1, 1, 1]} : vector<256x16x128xf32> to vector<256x16x64xf32>
    %broadcast_in_dim3A = vector.shape_cast %slice3A : vector<256x64xf32> to vector<256x1x64xf32>
    %broadcast_in_dim3A_11 = vector.shape_cast %broadcast_in_dim3A : vector<256x1x64xf32> to vector<256x1x64xf32>
    %broadcast_in_dim3A_12 = vector.broadcast %broadcast_in_dim3A_11 : vector<256x1x64xf32> to vector<256x16x64xf32>
    %sub3A = arith.subf %broadcast_in_dim3A_12, %slice3A_10 : vector<256x16x64xf32>
    %concatenate3A = tpu.concatenate %broadcast_in_dim3A_12, %sub3A in 2 : vector<256x16x64xf32>, vector<256x16x64xf32> -> vector<256x16x128xf32>
    %reshape3A = vector.shape_cast %concatenate3A : vector<256x16x128xf32> to vector<4096x128xf32>
    %get3A_13 = arith.constant 0 : index
    %get3A_14 = arith.constant 0 : index
    %get3A_15 = vector.load %arg4[%get3A_13, %get3A_14] : memref<128x128xf32, #tpu.memory_space<vmem>>, vector<128x128xf32>
    %dot_general3A = arith.constant dense<0.000000e+00> : vector<4096x128xf32>
    %dot_general3A_16 = tpu.matmul %reshape3A, %get3A_15, %dot_general3A {dimension_numbers = #tpu.dot_dimension_numbers<[1], [0], [0], [1], [0, 0, 1, 1], [], []>, transpose_lhs_hint = false} : vector<4096x128xf32>, vector<128x128xf32>, vector<4096x128xf32> -> vector<4096x128xf32>
    %get3A_17 = arith.constant 0 : index
    %get3A_18 = arith.constant 0 : index
    %get3A_19 = vector.load %arg5[%get3A_17, %get3A_18] : memref<1x128xf32, #tpu.memory_space<vmem>>, vector<1x128xf32>
    %get3A_20 = vector.shape_cast %get3A_19 : vector<1x128xf32> to vector<128xf32>
    %broadcast_in_dim3A_21 = vector.shape_cast %get3A_20 : vector<128xf32> to vector<1x128xf32>
    %add3A = vector.broadcast %broadcast_in_dim3A_21 : vector<1x128xf32> to vector<4096x128xf32>
    %add3A_22 = arith.addf %dot_general3A_16, %add3A : vector<4096x128xf32>
    %max3A = arith.constant 0.000000e+00 : f32
    %max3A_23 = vector.broadcast %max3A : f32 to vector<4096x128xf32>
    %max3A_24 = arith.maximumf %add3A_22, %max3A_23 : vector<4096x128xf32>
    %get3A_25 = arith.constant 0 : index
    %get3A_26 = arith.constant 0 : index
    %get3A_27 = vector.load %arg6[%get3A_25, %get3A_26] : memref<128x64xf32, #tpu.memory_space<vmem>>, vector<128x64xf32>
    %dot_general3A_28 = arith.constant dense<0.000000e+00> : vector<4096x64xf32>
    %dot_general3A_29 = tpu.matmul %max3A_24, %get3A_27, %dot_general3A_28 {dimension_numbers = #tpu.dot_dimension_numbers<[1], [0], [0], [1], [0, 0, 1, 1], [], []>, transpose_lhs_hint = false} : vector<4096x128xf32>, vector<128x64xf32>, vector<4096x64xf32> -> vector<4096x64xf32>
    %get3A_30 = arith.constant 0 : index
    %get3A_31 = arith.constant 0 : index
    %get3A_32 = vector.load %arg7[%get3A_30, %get3A_31] : memref<1x64xf32, #tpu.memory_space<vmem>>, vector<1x64xf32>
    %get3A_33 = vector.shape_cast %get3A_32 : vector<1x64xf32> to vector<64xf32>
    %broadcast_in_dim3A_34 = vector.shape_cast %get3A_33 : vector<64xf32> to vector<1x64xf32>
    %add3A_35 = vector.broadcast %broadcast_in_dim3A_34 : vector<1x64xf32> to vector<4096x64xf32>
    %add3A_36 = arith.addf %dot_general3A_29, %add3A_35 : vector<4096x64xf32>
    %max3A_37 = arith.constant 0.000000e+00 : f32
    %max3A_38 = vector.broadcast %max3A_37 : f32 to vector<4096x64xf32>
    %max3A_39 = arith.maximumf %add3A_36, %max3A_38 : vector<4096x64xf32>
    %get3A_40 = arith.constant 0 : index
    %get3A_41 = arith.constant 0 : index
    %get3A_42 = vector.load %arg8[%get3A_40, %get3A_41] : memref<64x64xf32, #tpu.memory_space<vmem>>, vector<64x64xf32>
    %dot_general3A_43 = arith.constant dense<0.000000e+00> : vector<4096x64xf32>
    %dot_general3A_44 = tpu.matmul %max3A_39, %get3A_42, %dot_general3A_43 {dimension_numbers = #tpu.dot_dimension_numbers<[1], [0], [0], [1], [0, 0, 1, 1], [], []>, transpose_lhs_hint = false} : vector<4096x64xf32>, vector<64x64xf32>, vector<4096x64xf32> -> vector<4096x64xf32>
    %get3A_45 = arith.constant 0 : index
    %get3A_46 = arith.constant 0 : index
    %get3A_47 = vector.load %arg9[%get3A_45, %get3A_46] : memref<1x64xf32, #tpu.memory_space<vmem>>, vector<1x64xf32>
    %get3A_48 = vector.shape_cast %get3A_47 : vector<1x64xf32> to vector<64xf32>
    %broadcast_in_dim3A_49 = vector.shape_cast %get3A_48 : vector<64xf32> to vector<1x64xf32>
    %add3A_50 = vector.broadcast %broadcast_in_dim3A_49 : vector<1x64xf32> to vector<4096x64xf32>
    %add3A_51 = arith.addf %dot_general3A_44, %add3A_50 : vector<4096x64xf32>
    %max3A_52 = arith.constant 0.000000e+00 : f32
    %max3A_53 = vector.broadcast %max3A_52 : f32 to vector<4096x64xf32>
    %max3A_54 = arith.maximumf %add3A_51, %max3A_53 : vector<4096x64xf32>
    %reshape3A_55 = vector.shape_cast %max3A_54 : vector<4096x64xf32> to vector<256x16x64xf32>
    %reduce_max3A = arith.constant dense<0xFF800000> : vector<256x64xf32>
    %reduce_max3A_56 = vector.multi_reduction <maximumf>, %reshape3A_55, %reduce_max3A [1] : vector<256x16x64xf32> to vector<256x64xf32>
    %swap3A = arith.constant 0 : index
    %swap3A_57 = arith.constant 0 : index
    %swap3A_58 = arith.constant 0 : index
    %swap3A_59 = vector.load %arg10[%swap3A, %swap3A_57, %swap3A_58] : memref<1x256x64xf32, #tpu.memory_space<vmem>>, vector<1x256x64xf32>
    %swap3A_60 = vector.shape_cast %swap3A_59 : vector<1x256x64xf32> to vector<256x64xf32>
    %swap3A_61 = vector.shape_cast %reduce_max3A_56 : vector<256x64xf32> to vector<1x256x64xf32>
    tpu.vector_store %arg10[%swap3A, %swap3A_57, %swap3A_58], %swap3A_61 {strides = array<i32>} : memref<1x256x64xf32, #tpu.memory_space<vmem>>, vector<1x256x64xf32>,
    %reduce_max3A_62 = arith.constant dense<0xFF800000> : vector<64xf32>
    %reduce_max3A_63 = vector.multi_reduction <maximumf>, %reduce_max3A_56, %reduce_max3A_62 [0] : vector<256x64xf32> to vector<64xf32>
    %eq3A = arith.constant 0 : i32
    %eq3A_64 = arith.cmpi eq, %arg1, %eq3A : i32
    %convert_element_type3A = arith.extui %eq3A_64 : i1 to i32
    %cond3A = arith.constant 0 : i32
    %cond3A_65 = arith.cmpi ne, %convert_element_type3A, %cond3A : i32
    scf.if %cond3A_65 {
      %swap3A_70 = arith.constant 0 : index
      %swap3A_71 = arith.constant 0 : index
      %swap3A_72 = arith.constant 0 : index
      %swap3A_73 = vector.load %arg11[%swap3A_70, %swap3A_71, %swap3A_72] : memref<1x1x64xf32, #tpu.memory_space<vmem>>, vector<1x1x64xf32>
      %swap3A_74 = vector.shape_cast %swap3A_73 : vector<1x1x64xf32> to vector<64xf32>
      %swap3A_75 = vector.shape_cast %reduce_max3A_63 : vector<64xf32> to vector<1x1x64xf32>
      tpu.vector_store %arg11[%swap3A_70, %swap3A_71, %swap3A_72], %swap3A_75 {strides = array<i32>} : memref<1x1x64xf32, #tpu.memory_space<vmem>>, vector<1x1x64xf32>,
    } else {
    }
    %ne3A = arith.constant 0 : i32
    %ne3A_66 = arith.cmpi ne, %arg1, %ne3A : i32
    %convert_element_type3A_67 = arith.extui %ne3A_66 : i1 to i32
    %cond3A_68 = arith.constant 0 : i32
    %cond3A_69 = arith.cmpi ne, %convert_element_type3A_67, %cond3A_68 : i32
    scf.if %cond3A_69 {
      %get3A_70 = arith.constant 0 : index
      %get3A_71 = arith.constant 0 : index
      %get3A_72 = arith.constant 0 : index
      %get3A_73 = vector.load %arg11[%get3A_70, %get3A_71, %get3A_72] : memref<1x1x64xf32, #tpu.memory_space<vmem>>, vector<1x1x64xf32>
      %get3A_74 = vector.shape_cast %get3A_73 : vector<1x1x64xf32> to vector<64xf32>
      %max3A_75 = arith.maximumf %get3A_74, %reduce_max3A_63 : vector<64xf32>
      %swap3A_76 = arith.constant 0 : index
      %swap3A_77 = arith.constant 0 : index
      %swap3A_78 = arith.constant 0 : index
      %swap3A_79 = vector.load %arg11[%swap3A_76, %swap3A_77, %swap3A_78] : memref<1x1x64xf32, #tpu.memory_space<vmem>>, vector<1x1x64xf32>
      %swap3A_80 = vector.shape_cast %swap3A_79 : vector<1x1x64xf32> to vector<64xf32>
      %swap3A_81 = vector.shape_cast %max3A_75 : vector<64xf32> to vector<1x1x64xf32>
      tpu.vector_store %arg11[%swap3A_76, %swap3A_77, %swap3A_78], %swap3A_81 {strides = array<i32>} : memref<1x1x64xf32, #tpu.memory_space<vmem>>, vector<1x1x64xf32>,
    } else {
    }
    return
  }
  func.func @transform_0(%arg0: i32, %arg1: i32) -> (i32, i32, i32) {
    %c0_i32 = arith.constant 0 : i32
    %c0_i32_0 = arith.constant 0 : i32
    return %arg0, %arg1, %c0_i32 : i32, i32, i32
  }
  func.func @transform_1(%arg0: i32, %arg1: i32) -> (i32, i32, i32, i32) {
    %c0_i32 = arith.constant 0 : i32
    %c0_i32_0 = arith.constant 0 : i32
    %c0_i32_1 = arith.constant 0 : i32
    return %arg0, %arg1, %c0_i32, %c0_i32_0 : i32, i32, i32, i32
  }
  func.func @transform_2(%arg0: i32, %arg1: i32) -> (i32, i32) {
    %c0_i32 = arith.constant 0 : i32
    %c0_i32_0 = arith.constant 0 : i32
    %c0_i32_1 = arith.constant 0 : i32
    return %c0_i32, %c0_i32_0 : i32, i32
  }
  func.func @transform_3(%arg0: i32, %arg1: i32) -> (i32, i32) {
    %c0_i32 = arith.constant 0 : i32
    %c0_i32_0 = arith.constant 0 : i32
    %c0_i32_1 = arith.constant 0 : i32
    return %c0_i32, %c0_i32_0 : i32, i32
  }
  func.func @transform_4(%arg0: i32, %arg1: i32) -> (i32, i32) {
    %c0_i32 = arith.constant 0 : i32
    %c0_i32_0 = arith.constant 0 : i32
    %c0_i32_1 = arith.constant 0 : i32
    return %c0_i32, %c0_i32_0 : i32, i32
  }
  func.func @transform_5(%arg0: i32, %arg1: i32) -> (i32, i32) {
    %c0_i32 = arith.constant 0 : i32
    %c0_i32_0 = arith.constant 0 : i32
    %c0_i32_1 = arith.constant 0 : i32
    return %c0_i32, %c0_i32_0 : i32, i32
  }
  func.func @transform_6(%arg0: i32, %arg1: i32) -> (i32, i32) {
    %c0_i32 = arith.constant 0 : i32
    %c0_i32_0 = arith.constant 0 : i32
    %c0_i32_1 = arith.constant 0 : i32
    return %c0_i32, %c0_i32_0 : i32, i32
  }
  func.func @transform_7(%arg0: i32, %arg1: i32) -> (i32, i32) {
    %c0_i32 = arith.constant 0 : i32
    %c0_i32_0 = arith.constant 0 : i32
    %c0_i32_1 = arith.constant 0 : i32
    return %c0_i32, %c0_i32_0 : i32, i32
  }
  func.func @transform_8(%arg0: i32, %arg1: i32) -> (i32, i32, i32) {
    %c0_i32 = arith.constant 0 : i32
    %c0_i32_0 = arith.constant 0 : i32
    return %arg0, %arg1, %c0_i32 : i32, i32, i32
  }
  func.func @transform_9(%arg0: i32, %arg1: i32) -> (i32, i32, i32) {
    %c0_i32 = arith.constant 0 : i32
    %c0_i32_0 = arith.constant 0 : i32
    %c0_i32_1 = arith.constant 0 : i32
    return %arg0, %c0_i32, %c0_i32_0 : i32, i32, i32
  }
}

module attributes {stable_mosaic.version = 14 : i64} {
  func.func @_final_kernel(%arg0: i32, %arg1: i32, %arg2: memref<1x256x64xf32, #tpu.memory_space<vmem>>, %arg3: memref<1x1x64xf32, #tpu.memory_space<vmem>>, %arg4: memref<128x64xf32, #tpu.memory_space<vmem>>, %arg5: memref<1x64xf32, #tpu.memory_space<vmem>>, %arg6: memref<1x256x64xf32, #tpu.memory_space<vmem>>) attributes {dimension_semantics = [#tpu.dimension_semantics<arbitrary>, #tpu.dimension_semantics<arbitrary>], iteration_bounds = array<i64: 4, 8>, scalar_prefetch = 0 : i64, scratch_operands = 0 : i64, tpu.core_type = #tpu.core_type<tc>, window_params = [{transform_indices = @transform_0, window_bounds = array<i64: 1, 256, 64>}, {transform_indices = @transform_1, window_bounds = array<i64: 1, 1, 64>}, {pipeline_mode = #tpu.pipeline_mode<synchronous>, transform_indices = @transform_2, window_bounds = array<i64: 128, 64>}, {pipeline_mode = #tpu.pipeline_mode<synchronous>, transform_indices = @transform_3, window_bounds = array<i64: 1, 64>}, {transform_indices = @transform_4, window_bounds = array<i64: 1, 256, 64>}]} {
    %get3A = arith.constant 0 : index
    %get3A_0 = arith.constant 0 : index
    %get3A_1 = arith.constant 0 : index
    %get3A_2 = vector.load %arg3[%get3A, %get3A_0, %get3A_1] : memref<1x1x64xf32, #tpu.memory_space<vmem>>, vector<1x1x64xf32>
    %get3A_3 = vector.shape_cast %get3A_2 : vector<1x1x64xf32> to vector<64xf32>
    %get3A_4 = arith.constant 0 : index
    %get3A_5 = arith.constant 0 : index
    %get3A_6 = arith.constant 0 : index
    %get3A_7 = vector.load %arg2[%get3A_4, %get3A_5, %get3A_6] : memref<1x256x64xf32, #tpu.memory_space<vmem>>, vector<1x256x64xf32>
    %get3A_8 = vector.shape_cast %get3A_7 : vector<1x256x64xf32> to vector<256x64xf32>
    %broadcast_in_dim3A = vector.shape_cast %get3A_3 : vector<64xf32> to vector<1x64xf32>
    %broadcast_in_dim3A_9 = vector.shape_cast %broadcast_in_dim3A : vector<1x64xf32> to vector<1x64xf32>
    %broadcast_in_dim3A_10 = vector.broadcast %broadcast_in_dim3A_9 : vector<1x64xf32> to vector<256x64xf32>
    %concatenate3A = tpu.concatenate %get3A_8, %broadcast_in_dim3A_10 in 1 : vector<256x64xf32>, vector<256x64xf32> -> vector<256x128xf32>
    %get3A_11 = arith.constant 0 : index
    %get3A_12 = arith.constant 0 : index
    %get3A_13 = vector.load %arg4[%get3A_11, %get3A_12] : memref<128x64xf32, #tpu.memory_space<vmem>>, vector<128x64xf32>
    %dot_general3A = arith.constant dense<0.000000e+00> : vector<256x64xf32>
    %dot_general3A_14 = tpu.matmul %concatenate3A, %get3A_13, %dot_general3A {dimension_numbers = #tpu.dot_dimension_numbers<[1], [0], [0], [1], [0, 0, 1, 1], [], []>, transpose_lhs_hint = false} : vector<256x128xf32>, vector<128x64xf32>, vector<256x64xf32> -> vector<256x64xf32>
    %get3A_15 = arith.constant 0 : index
    %get3A_16 = arith.constant 0 : index
    %get3A_17 = vector.load %arg5[%get3A_15, %get3A_16] : memref<1x64xf32, #tpu.memory_space<vmem>>, vector<1x64xf32>
    %get3A_18 = vector.shape_cast %get3A_17 : vector<1x64xf32> to vector<64xf32>
    %broadcast_in_dim3A_19 = vector.shape_cast %get3A_18 : vector<64xf32> to vector<1x64xf32>
    %add3A = vector.broadcast %broadcast_in_dim3A_19 : vector<1x64xf32> to vector<256x64xf32>
    %add3A_20 = arith.addf %dot_general3A_14, %add3A : vector<256x64xf32>
    %max3A = arith.constant 0.000000e+00 : f32
    %max3A_21 = vector.broadcast %max3A : f32 to vector<256x64xf32>
    %max3A_22 = arith.maximumf %add3A_20, %max3A_21 : vector<256x64xf32>
    %swap3A = arith.constant 0 : index
    %swap3A_23 = arith.constant 0 : index
    %swap3A_24 = arith.constant 0 : index
    %swap3A_25 = vector.load %arg6[%swap3A, %swap3A_23, %swap3A_24] : memref<1x256x64xf32, #tpu.memory_space<vmem>>, vector<1x256x64xf32>
    %swap3A_26 = vector.shape_cast %swap3A_25 : vector<1x256x64xf32> to vector<256x64xf32>
    %swap3A_27 = vector.shape_cast %max3A_22 : vector<256x64xf32> to vector<1x256x64xf32>
    tpu.vector_store %arg6[%swap3A, %swap3A_23, %swap3A_24], %swap3A_27 {strides = array<i32>} : memref<1x256x64xf32, #tpu.memory_space<vmem>>, vector<1x256x64xf32>,
    return
  }
  func.func @transform_0(%arg0: i32, %arg1: i32) -> (i32, i32, i32) {
    %c0_i32 = arith.constant 0 : i32
    %c0_i32_0 = arith.constant 0 : i32
    return %arg0, %arg1, %c0_i32 : i32, i32, i32
  }
  func.func @transform_1(%arg0: i32, %arg1: i32) -> (i32, i32, i32) {
    %c0_i32 = arith.constant 0 : i32
    %c0_i32_0 = arith.constant 0 : i32
    %c0_i32_1 = arith.constant 0 : i32
    return %arg0, %c0_i32, %c0_i32_0 : i32, i32, i32
  }
  func.func @transform_2(%arg0: i32, %arg1: i32) -> (i32, i32) {
    %c0_i32 = arith.constant 0 : i32
    %c0_i32_0 = arith.constant 0 : i32
    %c0_i32_1 = arith.constant 0 : i32
    return %c0_i32, %c0_i32_0 : i32, i32
  }
  func.func @transform_3(%arg0: i32, %arg1: i32) -> (i32, i32) {
    %c0_i32 = arith.constant 0 : i32
    %c0_i32_0 = arith.constant 0 : i32
    %c0_i32_1 = arith.constant 0 : i32
    return %c0_i32, %c0_i32_0 : i32, i32
  }
  func.func @transform_4(%arg0: i32, %arg1: i32) -> (i32, i32, i32) {
    %c0_i32 = arith.constant 0 : i32
    %c0_i32_0 = arith.constant 0 : i32
    return %arg0, %arg1, %c0_i32 : i32, i32, i32
  }
}

</mosaic_0001>

<sc_bundles>
// kernel: kernel.20.cloned.1.call-start
scs
__scs_entry_jumppad:
0x0: {  	(pc) =	sbr.rel $0x88, $3  }
0x1: {  	(tag) =	ssettag $0x0;
	lr =	simm.s32 $0x1  }
0x2: {  	[smem:$0x3F96] =	sst lr;
	_ =	strace $0xD0000000  }
0x3: {  	_ = 	snop  }
0x4: {  	_ = 	snop  }
0x5: {  	_ = 	snop  }
0x6: {  	_ = 	snop  }
0x7: {  	_ = 	snop  }
__scs_overlays_trampoline_lowered:
0x8: {  	[smem:$0x3FA5] =	sst s0  }
0x9: {  	[smem:$0x3FA6] =	sst s1  }
0xa: {  	[smem:$0x3FA7] =	sst s2  }
0xb: {  	[smem:$0x3FA8] =	sst s3  }
0xc: {  	[smem:$0x3FA9] =	sst s4  }
0xd: {  	[smem:$0x3FAA] =	sst s5  }
0xe: {  	[smem:$0x3FAB] =	sst s6  }
0xf: {  	[smem:$0x3FAC] =	sst s7  }
0x10: {  	[smem:$0x3FAD] =	sst s8  }
0x11: {  	[smem:$0x3FAE] =	sst s9;
	s0 =	simm.s32 @!p0 $0x0  }
0x12: {  	s1 =	sld [smem:$0x3F94];
	s0 =	simm.s32 @p0 $0x1  }
0x13: {  	[smem:$0x3FAF] =	sst s0;
	s0 =	simm.s32 @!p1 $0x0  }
0x14: {  	s2 =	sld [smem:$0x3F93];
	s0 =	simm.s32 @p1 $0x1  }
0x15: {  	[smem:$0x3FB0] =	sst s0;
	s0 =	simm.s32 @!p2 $0x0  }
0x16: {  	s3 =	sld [smem:$0x3FDB];
	s0 =	simm.s32 @p2 $0x1  }
0x17: {  	s4 =	simm.s32 $0x1BF5;
	[smem:$0x3FB2] =	sst s0  }
0x18: {  	s0 =	sld [smem:$0x3F95];
	_ =	swait.ge [sflag:s4], $0x0  }
0x19: {  	s7 =	sld [smem:$0x3F96]  }
0x1a: {  	s8 =	sadd.s32 $0xFFFFE003, lr  }
0x1b: {  	s9 =	sadd.s32 $0xFFFFFEF7, lr;
	s5 =	simm.s32 $0xFFFFFFFF;
	p2 =	slt.u32 s8, $0xFFFFF086  }
0x1c: {  	p1 =	slt.u32 s9, $0xF7A;
	s5 =	simm.s32 @!p2 $0x0  }
0x1d: {  	s5 =	simm.s32 @p1 $0x1;
	p0 =	seq.s32 s7, s2  }
0x1e: {  	s7 =	smul.u32 @!p0 $0xF7A, s2;
	p2 =	seq.s32 @!p0 s5, $0x0  }
0x1f: {  	s9 =	smul.u32 $0xF7A, s1;
	s8 =	simm.s32 @!p0 $0x1BF5;
	p2 =	por !p2, p0  }
0x20: {  	[sflag:s8] =	ssyncset.s32 @!p0 $0xFFFFF086;
	s6 =	sadd.s32 @!p0 s3, s7;
	s7 =	simm.s32 @!p0 $0x108  }
0x21: {  	s3 =	sadd.s32 s3, s9;
	s6 =	sadd.s32 @!p0 $0x88, s6;
	s7 =	simm.s32 @p2 $0x1082  }
0x22: {  	[simem:s7], [sflag:s8] =	dma.local @!p0 [hbm:s6], $0xF7A  }
0x23: {  	s9 =	sor.u32 $0xD0000000, s2;
	s6 =	simm.s32 $0x108;
	_ =	swait.ge @!p0 [sflag:s8], $0x0  }
0x24: {  	s3 =	sadd.s32 $0x88, s3;
	s6 =	simm.s32 @!p1 $0x1082;
	[sflag:s4] =	ssyncset.s32 $0xFFFFF086  }
0x25: {  	[simem:s6], [sflag:s4] =	dma.local [hbm:s3], $0xF7A  }
0x26: {  	[smem:$0x3F96] =	sst s1;
	(tag) =	ssettag s2;
	_ =	strace s9  }
0x27: {  	s1 =	sld [smem:$0x3FA6]  }
0x28: {  	s2 =	sld [smem:$0x3FA7]  }
0x29: {  	s4 =	sld [smem:$0x3FA9]  }
0x2a: {  	p0 =	seq.s32 s5, $0x0;
	s5 =	sld [smem:$0x3FAA]  }
0x2b: {  	s6 =	sld [smem:$0x3FAB]  }
0x2c: {  	s7 =	sld [smem:$0x3FAC]  }
0x2d: {  	s3 =	simm.s32 $0x108;
	s8 =	sld [smem:$0x3FAD]  }
0x2e: {  	s3 =	simm.s32 @!p0 $0x1082;
	s9 =	sld [smem:$0x3FAE]  }
0x2f: {  	lr =	sadd.s32 s0, s3;
	s0 =	sld [smem:$0x3FA5]  }
0x30: {  	s3 =	sld [smem:$0x3FA8]  }
0x31: {  	[smem:$0x3FB1] =	sst s10  }
0x32: {  	s10 =	sld [smem:$0x3FAF];
	_ =	sdelay $0x3  }
0x33: {  	p0 =	seq.s32 s10, $0x1;
	s10 =	sld [smem:$0x3FB1];
	_ =	sdelay $0x3  }
0x34: {  	[smem:$0x3FB1] =	sst s10  }
0x35: {  	s10 =	sld [smem:$0x3FB0];
	_ =	sdelay $0x3  }
0x36: {  	p1 =	seq.s32 s10, $0x1;
	s10 =	sld [smem:$0x3FB1];
	_ =	sdelay $0x3  }
0x37: {  	[smem:$0x3FB1] =	sst s10  }
0x38: {  	s10 =	sld [smem:$0x3FB2]  }
0x39: {  	_ = 	snop;
	(pc) =	sbr.ind lr, $3  }
0x3a: {  	_ = 	snop  }
0x3b: {  	_ = 	snop  }
0x3c: {  	p2 =	seq.s32 s10, $0x1;
	s10 =	sld [smem:$0x3FB1]  }
0x3d: {  	_ =	shalt  }
0x3e: {  	_ =	shalt  }
0x3f: {  	_ =	shalt  }
0x40: {  	_ =	shalt  }
0x41: {  	_ =	shalt  }
0x42: {  	_ =	shalt  }
0x43: {  	_ =	shalt  }
0x44: {  	_ =	shalt  }
0x45: {  	_ =	shalt  }
0x46: {  	_ =	shalt  }
0x47: {  	_ =	shalt  }
0x48: {  	_ =	shalt  }
0x49: {  	_ =	shalt  }
0x4a: {  	_ =	shalt  }
0x4b: {  	_ =	shalt  }
0x4c: {  	_ =	shalt  }
0x4d: {  	_ =	shalt  }
0x4e: {  	_ =	shalt  }
0x4f: {  	_ =	shalt  }
0x50: {  	_ =	shalt  }
0x51: {  	_ =	shalt  }
0x52: {  	_ =	shalt  }
0x53: {  	_ =	shalt  }
0x54: {  	_ =	shalt  }
0x55: {  	_ =	shalt  }
0x56: {  	_ =	shalt  }
0x57: {  	_ =	shalt  }
0x58: {  	_ =	shalt  }
0x59: {  	_ =	shalt  }
0x5a: {  	_ =	shalt  }
0x5b: {  	_ =	shalt  }
0x5c: {  	_ =	shalt  }
0x5d: {  	_ =	shalt  }
0x5e: {  	_ =	shalt  }
0x5f: {  	_ =	shalt  }
0x60: {  	_ =	shalt  }
0x61: {  	_ =	shalt  }
0x62: {  	_ =	shalt  }
0x63: {  	_ =	shalt  }
0x64: {  	_ =	shalt  }
0x65: {  	_ =	shalt  }
0x66: {  	_ =	shalt  }
0x67: {  	_ =	shalt  }
0x68: {  	_ =	shalt  }
0x69: {  	_ =	shalt  }
0x6a: {  	_ =	shalt  }
0x6b: {  	_ =	shalt  }
0x6c: {  	_ =	shalt  }
0x6d: {  	_ =	shalt  }
0x6e: {  	_ =	shalt  }
0x6f: {  	_ =	shalt  }
0x70: {  	_ =	shalt  }
0x71: {  	_ =	shalt  }
0x72: {  	_ =	shalt  }
0x73: {  	_ =	shalt  }
0x74: {  	_ =	shalt  }
0x75: {  	_ =	shalt  }
0x76: {  	_ =	shalt  }
0x77: {  	_ =	shalt  }
0x78: {  	_ =	shalt  }
0x79: {  	_ =	shalt  }
0x7a: {  	_ =	shalt  }
0x7b: {  	_ =	shalt  }
0x7c: {  	_ =	shalt  }
0x7d: {  	_ =	shalt  }
0x7e: {  	_ =	shalt  }
0x7f: {  	_ =	shalt  }
0x80: {  	_ =	shalt  }
0x81: {  	_ =	shalt  }
0x82: {  	_ =	shalt  }
0x83: {  	_ =	shalt  }
0x84: {  	_ =	shalt  }
0x85: {  	_ =	shalt  }
0x86: {  	_ =	shalt  }
0x87: {  	_ =	shalt  }
.Lfunc_end0:
.L_simem_size_0:
called_computation_lowered:
.L_overlay_start_0:
0x88: {  	s2 =	sld [smem:$0x3FD9]  }
0x89: {  	s3 =	sld [smem:$0x3FFE];
	_ =	sdelay $0x1  }
0x8a: {  	s1 =	srdreg.scid  }
0x8b: {  	s0 =	sand.u32 $0x1, s1  }
0x8c: {  	s16 =	sshll.u32 s0, $0xA;
	s2 =	sadd.s32 s3, s2  }
0x8d: {  	s2 =	sadd.s32 s2, s16  }
0x8e: {  	[smem:$0x3FBD] =	sst s2  }
0x8f: {  	_ = 	snop  }
0x90: {  	(tm) =	ssettm $0x1  }
0x91: {  	s17 =	sld [smem:$0x3FFB];
	_ =	sdelay $0x3  }
0x92: {  	_ =	strace s17  }
0x93: {  	s2 =	sld [smem:$0x3FFC];
	_ =	sdelay $0x3  }
0x94: {  	_ =	strace s2  }
0x95: {  	s2 =	sld [smem:$0x3FFD];
	_ =	sdelay $0x3  }
0x96: {  	_ =	strace s2  }
0x97: {  	_ =	strace $0x8FFFFFFF  }
0x98: {  	s18 =	sld [smem:$0x3FDB];
	_ =	sdelay $0x1  }
0x99: {  	s19 =	simm.s32 $_scs_section_size  }
0x9a: {  	s4 =	simm.s32 $_size__tile_overlayer_lowered;
	s5 =	simm.s32 $_tile_overlayer_lowered  }
0x9b: {  	s22 =	simm.s32 $0x1BFF;
	s21 =	sshll.u32 s5, $0x1;
	s2 =	sadd.s32 s19, s18  }
0x9c: {  	s6 =	simm.s32 $0x0;
	s20 =	sshll.u32 s4, $0x1;
	s4 =	sadd.s32 s21, s2  }
0x9d: {  	[timem:s6], [sflag:s22] =	dma.local [hbm:s4], s20  }
0x9e: {  	_ =	swait.ge [sflag:s22], s20  }
0x9f: {  	s3 =	ssub.s32 $0x0, s20;
	[sflag:s22] =	ssyncset.done $0x0  }
0xa0: {  	[sflag:s22] =	ssyncadd.s32 s3;
	_ =	sdelay $0x1  }
0xa1: {  	s23 =	simm.s32 $0x1B8B  }
0xa2: {  	_ =	swait.ge [sflag:s23], $0x1  }
0xa3: {  	[sflag:s23] =	ssyncset.done $0x0  }
0xa4: {  	s25 =	simm.s32 $0x1B8E;
	s24 =	sld [smem:$0x3FFE];
	[sflag:s23] =	ssyncadd.s32 $0xFFFFFFFF  }
0xa5: {  	s26 =	simm.s32 $execute0_lowered;
	[smem:$0x3FD2] =	sst s25  }
0xa6: {  	s4 =	sshll.u32 s26, $0x1;
	_ =	strace $0x80000046;
	[dreg:$0x1] =	wrdreg $0xFFFFFFFF  }
0xa7: {  	s28 =	simm.s32 $_size_execute0_lowered;
	s2 =	sadd.s32 s2, s4;
	[dreg:$0x0] =	wrdreg $0x0  }
0xa8: {  	s4 =	sshll.u32 s28, $0x1;
	[dreg:$0x2] =	wrdreg s2  }
0xa9: {  	[dreg:$0x3] =	wrdreg s4  }
0xaa: {  	[dreg:$0x4] =	wrdreg $0xC0  }
0xab: {  	_ =	task [dreg:s6], $0x5FFFF  }
0xac: {  	[dreg:$0x1] =	wrdreg $0xFFFFFFFF  }
0xad: {  	[dreg:$0x0] =	wrdreg $0x60  }
0xae: {  	[dreg:$0x2] =	wrdreg s24  }
0xaf: {  	[dreg:$0x3] =	wrdreg $0x9  }
0xb0: {  	_ =	task.clear_ibuf [dreg:s6], $0x4FFFF;
	_ =	strace $0x90000046  }
0xb1: {  	s29 =	simm.s32 $0x9;
	_ =	strace $0x80000048  }
0xb2: {  	_ =	swait.ge [sflag:s29], $0x1  }
0xb3: {  	[sflag:s29] =	ssyncadd.s32 $0xFFFFFFFF  }
0xb4: {  	_ =	strace $0x90000048  }
0xb5: {  	_ =	sfence  }
0xb6: {  	s30 =	sld [smem:$0x0];
	_ =	sdelay $0x2  }
0xb7: {  	s31 =	sshll.u32 s1, $0xD;
	s1 =	sshrl.u32 s1, $0x2  }
0xb8: {  	s3 =	sand.u32 $0x4000, s31;
	s1 =	sadd.s32 s1, s30  }
0xb9: {  	s0 =	sor.u32 s3, s0;
	s1 =	sshll.u32 s1, $0x11  }
0xba: {  	s0 =	sor.u32 s1, s0  }
0xbb: {  	s0 =	sadd.s32 $0x8F2B, s0  }
0xbc: {  	[sflag:s0] =	ssyncadd.remote.s32 $0x1  }
0xbd: {  	_ =	sfence.sel $0xFFFF  }
0xbe: {  	[dreg:$0x0] =	wrdreg $0xFFFFFFFF;
	(pc) =	sbr.abs _section_cstart, $3  }
0xbf: {  	[dreg:$0x1] =	wrdreg $0xFFFFFFFF  }
0xc0: {  	_ =	task.clear_ibuf [dreg:s6], $0x2FFFF;
	_ =	strace $0x9FFFFFFF  }
0xc1: {  	(tm) =	ssettm $0x7FFFFFFF  }
tec
execute0_lowered:
.L_overlay_start_1:
0x0: {  	(tag) =	ssettag $0x1  }
0x1: {  	s4 =	rddreg [dreg:$0x0]  }
0x2: {  	s0 =	rddreg [dreg:$0x1];
	s2 =	simm.s32 $0x0;
	s3 =	srdreg.scid  }
0x3: {  	s1 =	stileid.u32;
	s10 =	simm.s32 $0x0;
	[smem:$0x7FF] =	sst s2  }
0x4: {  	s5 =	sand.u32 $0x1, s3;
	s6 =	sshll.u32 s1, $0xD;
	s3 =	sadd.s32 $0x24A00, s4  }
0x5: {  	s8 =	sshll.u32 s1, $0x11;
	_ =	strace $0x80000047;
	s7 =	sshll.u32 s5, $0xC  }
0x6: {  	s31 =	ssub.s32 $0x2, s5;
	s8 =	sadd.s32 s8, s4;
	s5 =	sshll.u32 s5, $0x10  }
0x7: {  	s6 =	sor.u32 s7, s6;
	s9 =	sshrl.u32 s31, $0x1;
	s5 =	sadd.s32 s5, s8  }
0x8: {  	s8 =	simm.s32 $0x80;
	s6 =	sshrl.u32 s6, $0x3;
	s7 =	ssub.s32 s31, s9  }
0x9: {  	s5 =	sadd.s32 $0x48A00, s5;
	s9 =	simm.s32 $0x1;
	s6 =	sadd.s32 s6, s4  }
0xa: {  	s4 =	smax.u32 s7, $0x1;
	s7 =	simm.s32 $0x2;
	s6 =	sadd.s32 $0x44A00, s6  }
.LBB2_1:
0xb: {  	s11 =	sadd.s32 $0x0, s6  }
0xc: {  	[tilespmem:s2], [sflag:$0x2] =	stream.linear.gather [hbm4b:s11+s2], $0x80, $0x38;
	[tilespmem:$0x4080] =	vst v63  }
0xd: {  	_ =	swait.ge [sflag:s7], $0x80  }
0xe: {  	[sflag:s7] =	ssyncset.done $0x0  }
0xf: {  	[sflag:s7] =	ssyncadd.s32 $0xFFFFFF80  }
0x10: {  	[tilespmem:s8], [sflag:$0x1] =	stream.indirect.gather [hbm4b:s3+s8], $0x80, s2, s8, $0xb8;
	[tilespmem:$0x4080] =	vst v63  }
0x11: {  	_ =	swait.ge [sflag:s9], $0x4000  }
0x12: {  	[sflag:s9] =	ssyncset.done $0x0  }
0x13: {  	[sflag:s9] =	ssyncadd.s32 $0xFFFFC000  }
0x14: {  	[hbm4b:s5+s2] =	stream.linear.scatter [tilespmem:s8], [sflag:$0x2], $0x4000, $0x38;
	[tilespmem:$0x4080] =	vst v63  }
0x15: {  	s12 =	simm.s32 $0x10;
	_ =	swait.ge [sflag:s7], $0x4000  }
0x16: {  	s13 =	simm.s32 $0x20;
	s11 =	sadd.s32 $0x800, s5;
	[sflag:s7] =	ssyncset.done $0x0  }
.LBB2_2:
0x17: {  	s14 =	sadd.s32 s12, s6  }
0x18: {  	[sflag:s7] =	ssyncadd.s32 $0xFFFFC000;
	s12 =	smov.u32 s13;
	s15 =	sadd.s32 $0x10, s13  }
0x19: {  	[tilespmem:s2], [sflag:$0x2] =	stream.linear.gather [hbm4b:s14+s2], $0x80, $0x38;
	[tilespmem:$0x4080] =	vst v63  }
0x1a: {  	p0 =	sne.s32 s13, $0x1F0;
	_ =	swait.ge [sflag:s7], $0x80  }
0x1b: {  	[sflag:s7] =	ssyncset.done $0x0  }
0x1c: {  	[sflag:s7] =	ssyncadd.s32 $0xFFFFFF80  }
0x1d: {  	[tilespmem:s8], [sflag:$0x1] =	stream.indirect.gather [hbm4b:s3+s8], $0x80, s2, s8, $0xb8;
	[tilespmem:$0x4080] =	vst v63  }
0x1e: {  	_ =	swait.ge [sflag:s9], $0x4000  }
.Ltmp0:
0x1f: {  	[sflag:s9] =	ssyncset.done $0x0;
	(pc) =	sbr.rel @p0 .LBB2_2-.Ltmp0, $4  }
0x20: {  	[sflag:s9] =	ssyncadd.s32 $0xFFFFC000  }
0x21: {  	[hbm4b:s11+s2] =	stream.linear.scatter [tilespmem:s8], [sflag:$0x2], $0x4000, $0x38;
	[tilespmem:$0x4080] =	vst v63  }
0x22: {  	_ =	swait.ge [sflag:s7], $0x4000  }
0x23: {  	s13 =	smov.u32 s15;
	s11 =	sadd.s32 $0x800, s11;
	[sflag:s7] =	ssyncset.done $0x0  }
0x24: {  	s12 =	sadd.s32 s12, s6;
	[sflag:s7] =	ssyncadd.s32 $0xFFFFC000  }
0x25: {  	[tilespmem:s2], [sflag:$0x2] =	stream.linear.gather [hbm4b:s12+s2], $0x80, $0x38;
	[tilespmem:$0x4080] =	vst v63  }
0x26: {  	_ =	swait.ge [sflag:s7], $0x80  }
0x27: {  	[sflag:s7] =	ssyncset.done $0x0  }
0x28: {  	[sflag:s7] =	ssyncadd.s32 $0xFFFFFF80  }
0x29: {  	[tilespmem:s8], [sflag:$0x1] =	stream.indirect.gather [hbm4b:s3+s8], $0x80, s2, s8, $0xb8;
	[tilespmem:$0x4080] =	vst v63  }
0x2a: {  	s10 =	sadd.s32 $0x1, s10;
	_ =	swait.ge [sflag:s9], $0x4000  }
0x2b: {  	p0 =	sne.s32 s10, s4;
	[sflag:s9] =	ssyncset.done $0x0  }
.Ltmp1:
0x2c: {  	[sflag:s9] =	ssyncadd.s32 $0xFFFFC000;
	(pc) =	sbr.rel @p0 .LBB2_1-.Ltmp1, $4  }
0x2d: {  	[hbm4b:s11+s2] =	stream.linear.scatter [tilespmem:s8], [sflag:$0x2], $0x4000, $0x38;
	[tilespmem:$0x4080] =	vst v63  }
0x2e: {  	_ =	swait.ge [sflag:s7], $0x4000  }
0x2f: {  	[sflag:s7] =	ssyncset.done $0x0  }
0x30: {  	[sflag:s7] =	ssyncadd.s32 $0xFFFFC000  }
0x31: {  	_ =	sfence.sel $0x180000  }
0x32: {  	[bflag:$0x0] =	sbarrier.arrive $0xFFFF  }
0x33: {  	p0 =	sne.s32 s1, $0x0;
	_ =	strace $0x90000047  }
0x34: {  	s0 =	sadd.s32 @!p0 $0x100000, s0;
	[bflag:$0x2] =	sbarrier.arrive $0xFFFF  }
0x35: {  	[sflag:s0] =	ssyncadd.tile.s32 @!p0 $0x1;
	_ =	shalt  }
.Lfunc_end2:
_tile_overlayer_lowered:
.L_overlay_start_2:
0x36: {  	(tag) =	ssettag $0x2  }
0x37: {  	s0 =	rddreg [dreg:$0x0];
	s2 =	stileid.u32  }
0x38: {  	s1 =	rddreg [dreg:$0x1];
	p0 =	sne.s32 s2, $0x0  }
0x39: {  	s3 =	rddreg [dreg:$0x2];
	[bflag:$0x3] =	sbarrier.arrive $0xFFFF;
	s2 =	simm.s32 @!p0 $0x1C02  }
0x3a: {  	[timem:s3], [sflag:s2] =	dma.local @!p0 [hbm:s0], s1  }
0x3b: {  	s0 =	simm.s32 @!p0 $0x2  }
0x3c: {  	_ =	swait.ge @!p0 [sflag:s0], s1  }
0x3d: {  	s1 =	ssub.s32 @!p0 $0x0, s1;
	[sflag:s0] =	ssyncset.done @!p0 $0x0  }
0x3e: {  	[sflag:s0] =	ssyncadd.s32 @!p0 s1  }
0x3f: {  	[bflag:$0x3] =	sbarrier.arrive $0xFFFF  }
0x40: {  	_ =	shalt  }

// kernel: kernel.23.cloned.1.call-start
scs
__scs_entry_jumppad:
0x0: {  	(pc) =	sbr.rel $0x88, $3  }
0x1: {  	(tag) =	ssettag $0x0;
	lr =	simm.s32 $0x1  }
0x2: {  	[smem:$0x3F96] =	sst lr;
	_ =	strace $0xD0000000  }
0x3: {  	_ = 	snop  }
0x4: {  	_ = 	snop  }
0x5: {  	_ = 	snop  }
0x6: {  	_ = 	snop  }
0x7: {  	_ = 	snop  }
__scs_overlays_trampoline_lowered:
0x8: {  	[smem:$0x3FA5] =	sst s0  }
0x9: {  	[smem:$0x3FA6] =	sst s1  }
0xa: {  	[smem:$0x3FA7] =	sst s2  }
0xb: {  	[smem:$0x3FA8] =	sst s3  }
0xc: {  	[smem:$0x3FA9] =	sst s4  }
0xd: {  	[smem:$0x3FAA] =	sst s5  }
0xe: {  	[smem:$0x3FAB] =	sst s6  }
0xf: {  	[smem:$0x3FAC] =	sst s7  }
0x10: {  	[smem:$0x3FAD] =	sst s8  }
0x11: {  	[smem:$0x3FAE] =	sst s9;
	s0 =	simm.s32 @!p0 $0x0  }
0x12: {  	s1 =	sld [smem:$0x3F94];
	s0 =	simm.s32 @p0 $0x1  }
0x13: {  	[smem:$0x3FAF] =	sst s0;
	s0 =	simm.s32 @!p1 $0x0  }
0x14: {  	s2 =	sld [smem:$0x3F93];
	s0 =	simm.s32 @p1 $0x1  }
0x15: {  	[smem:$0x3FB0] =	sst s0;
	s0 =	simm.s32 @!p2 $0x0  }
0x16: {  	s3 =	sld [smem:$0x3FDB];
	s0 =	simm.s32 @p2 $0x1  }
0x17: {  	s4 =	simm.s32 $0x1BF5;
	[smem:$0x3FB2] =	sst s0  }
0x18: {  	s0 =	sld [smem:$0x3F95];
	_ =	swait.ge [sflag:s4], $0x0  }
0x19: {  	s7 =	sld [smem:$0x3F96]  }
0x1a: {  	s8 =	sadd.s32 $0xFFFFE003, lr  }
0x1b: {  	s9 =	sadd.s32 $0xFFFFFEF7, lr;
	s5 =	simm.s32 $0xFFFFFFFF;
	p2 =	slt.u32 s8, $0xFFFFF086  }
0x1c: {  	p1 =	slt.u32 s9, $0xF7A;
	s5 =	simm.s32 @!p2 $0x0  }
0x1d: {  	s5 =	simm.s32 @p1 $0x1;
	p0 =	seq.s32 s7, s2  }
0x1e: {  	s7 =	smul.u32 @!p0 $0xF7A, s2;
	p2 =	seq.s32 @!p0 s5, $0x0  }
0x1f: {  	s9 =	smul.u32 $0xF7A, s1;
	s8 =	simm.s32 @!p0 $0x1BF5;
	p2 =	por !p2, p0  }
0x20: {  	[sflag:s8] =	ssyncset.s32 @!p0 $0xFFFFF086;
	s6 =	sadd.s32 @!p0 s3, s7;
	s7 =	simm.s32 @!p0 $0x108  }
0x21: {  	s3 =	sadd.s32 s3, s9;
	s6 =	sadd.s32 @!p0 $0x88, s6;
	s7 =	simm.s32 @p2 $0x1082  }
0x22: {  	[simem:s7], [sflag:s8] =	dma.local @!p0 [hbm:s6], $0xF7A  }
0x23: {  	s9 =	sor.u32 $0xD0000000, s2;
	s6 =	simm.s32 $0x108;
	_ =	swait.ge @!p0 [sflag:s8], $0x0  }
0x24: {  	s3 =	sadd.s32 $0x88, s3;
	s6 =	simm.s32 @!p1 $0x1082;
	[sflag:s4] =	ssyncset.s32 $0xFFFFF086  }
0x25: {  	[simem:s6], [sflag:s4] =	dma.local [hbm:s3], $0xF7A  }
0x26: {  	[smem:$0x3F96] =	sst s1;
	(tag) =	ssettag s2;
	_ =	strace s9  }
0x27: {  	s1 =	sld [smem:$0x3FA6]  }
0x28: {  	s2 =	sld [smem:$0x3FA7]  }
0x29: {  	s4 =	sld [smem:$0x3FA9]  }
0x2a: {  	p0 =	seq.s32 s5, $0x0;
	s5 =	sld [smem:$0x3FAA]  }
0x2b: {  	s6 =	sld [smem:$0x3FAB]  }
0x2c: {  	s7 =	sld [smem:$0x3FAC]  }
0x2d: {  	s3 =	simm.s32 $0x108;
	s8 =	sld [smem:$0x3FAD]  }
0x2e: {  	s3 =	simm.s32 @!p0 $0x1082;
	s9 =	sld [smem:$0x3FAE]  }
0x2f: {  	lr =	sadd.s32 s0, s3;
	s0 =	sld [smem:$0x3FA5]  }
0x30: {  	s3 =	sld [smem:$0x3FA8]  }
0x31: {  	[smem:$0x3FB1] =	sst s10  }
0x32: {  	s10 =	sld [smem:$0x3FAF];
	_ =	sdelay $0x3  }
0x33: {  	p0 =	seq.s32 s10, $0x1;
	s10 =	sld [smem:$0x3FB1];
	_ =	sdelay $0x3  }
0x34: {  	[smem:$0x3FB1] =	sst s10  }
0x35: {  	s10 =	sld [smem:$0x3FB0];
	_ =	sdelay $0x3  }
0x36: {  	p1 =	seq.s32 s10, $0x1;
	s10 =	sld [smem:$0x3FB1];
	_ =	sdelay $0x3  }
0x37: {  	[smem:$0x3FB1] =	sst s10  }
0x38: {  	s10 =	sld [smem:$0x3FB2]  }
0x39: {  	_ = 	snop;
	(pc) =	sbr.ind lr, $3  }
0x3a: {  	_ = 	snop  }
0x3b: {  	_ = 	snop  }
0x3c: {  	p2 =	seq.s32 s10, $0x1;
	s10 =	sld [smem:$0x3FB1]  }
0x3d: {  	_ =	shalt  }
0x3e: {  	_ =	shalt  }
0x3f: {  	_ =	shalt  }
0x40: {  	_ =	shalt  }
0x41: {  	_ =	shalt  }
0x42: {  	_ =	shalt  }
0x43: {  	_ =	shalt  }
0x44: {  	_ =	shalt  }
0x45: {  	_ =	shalt  }
0x46: {  	_ =	shalt  }
0x47: {  	_ =	shalt  }
0x48: {  	_ =	shalt  }
0x49: {  	_ =	shalt  }
0x4a: {  	_ =	shalt  }
0x4b: {  	_ =	shalt  }
0x4c: {  	_ =	shalt  }
0x4d: {  	_ =	shalt  }
0x4e: {  	_ =	shalt  }
0x4f: {  	_ =	shalt  }
0x50: {  	_ =	shalt  }
0x51: {  	_ =	shalt  }
0x52: {  	_ =	shalt  }
0x53: {  	_ =	shalt  }
0x54: {  	_ =	shalt  }
0x55: {  	_ =	shalt  }
0x56: {  	_ =	shalt  }
0x57: {  	_ =	shalt  }
0x58: {  	_ =	shalt  }
0x59: {  	_ =	shalt  }
0x5a: {  	_ =	shalt  }
0x5b: {  	_ =	shalt  }
0x5c: {  	_ =	shalt  }
0x5d: {  	_ =	shalt  }
0x5e: {  	_ =	shalt  }
0x5f: {  	_ =	shalt  }
0x60: {  	_ =	shalt  }
0x61: {  	_ =	shalt  }
0x62: {  	_ =	shalt  }
0x63: {  	_ =	shalt  }
0x64: {  	_ =	shalt  }
0x65: {  	_ =	shalt  }
0x66: {  	_ =	shalt  }
0x67: {  	_ =	shalt  }
0x68: {  	_ =	shalt  }
0x69: {  	_ =	shalt  }
0x6a: {  	_ =	shalt  }
0x6b: {  	_ =	shalt  }
0x6c: {  	_ =	shalt  }
0x6d: {  	_ =	shalt  }
0x6e: {  	_ =	shalt  }
0x6f: {  	_ =	shalt  }
0x70: {  	_ =	shalt  }
0x71: {  	_ =	shalt  }
0x72: {  	_ =	shalt  }
0x73: {  	_ =	shalt  }
0x74: {  	_ =	shalt  }
0x75: {  	_ =	shalt  }
0x76: {  	_ =	shalt  }
0x77: {  	_ =	shalt  }
0x78: {  	_ =	shalt  }
0x79: {  	_ =	shalt  }
0x7a: {  	_ =	shalt  }
0x7b: {  	_ =	shalt  }
0x7c: {  	_ =	shalt  }
0x7d: {  	_ =	shalt  }
0x7e: {  	_ =	shalt  }
0x7f: {  	_ =	shalt  }
0x80: {  	_ =	shalt  }
0x81: {  	_ =	shalt  }
0x82: {  	_ =	shalt  }
0x83: {  	_ =	shalt  }
0x84: {  	_ =	shalt  }
0x85: {  	_ =	shalt  }
0x86: {  	_ =	shalt  }
0x87: {  	_ =	shalt  }
.Lfunc_end0:
.L_simem_size_0:
called_computation.1_lowered:
.L_overlay_start_0:
0x88: {  	s2 =	sld [smem:$0x3FD9]  }
0x89: {  	s3 =	sld [smem:$0x3FFE];
	_ =	sdelay $0x1  }
0x8a: {  	s1 =	srdreg.scid  }
0x8b: {  	s0 =	sand.u32 $0x1, s1  }
0x8c: {  	s17 =	sshll.u32 s0, $0xA;
	s2 =	sadd.s32 s3, s2  }
0x8d: {  	s2 =	sadd.s32 s2, s17  }
0x8e: {  	[smem:$0x3FBD] =	sst s2  }
0x8f: {  	_ = 	snop  }
0x90: {  	(tm) =	ssettm $0x1  }
0x91: {  	s18 =	sld [smem:$0x3FFB];
	_ =	sdelay $0x3  }
0x92: {  	_ =	strace s18  }
0x93: {  	s2 =	sld [smem:$0x3FFC];
	_ =	sdelay $0x3  }
0x94: {  	_ =	strace s2  }
0x95: {  	s2 =	sld [smem:$0x3FFD];
	_ =	sdelay $0x3  }
0x96: {  	_ =	strace s2  }
0x97: {  	_ =	strace $0x8FFFFFFF  }
0x98: {  	s19 =	sld [smem:$0x3FDB];
	_ =	sdelay $0x1  }
0x99: {  	s20 =	simm.s32 $_scs_section_size  }
0x9a: {  	s4 =	simm.s32 $_size__tile_overlayer_lowered;
	s5 =	simm.s32 $_tile_overlayer_lowered  }
0x9b: {  	s6 =	simm.s32 $0x1BFF;
	s21 =	sshll.u32 s5, $0x1;
	s3 =	sadd.s32 s20, s19  }
0x9c: {  	s22 =	simm.s32 $0x0;
	s4 =	sshll.u32 s4, $0x1;
	s5 =	sadd.s32 s21, s3  }
0x9d: {  	[timem:s22], [sflag:s6] =	dma.local [hbm:s5], s4  }
0x9e: {  	_ =	swait.ge [sflag:s6], s4  }
0x9f: {  	s4 =	ssub.s32 $0x0, s4;
	[sflag:s6] =	ssyncset.done $0x0  }
0xa0: {  	[sflag:s6] =	ssyncadd.s32 s4;
	_ =	sdelay $0x1  }
0xa1: {  	s23 =	simm.s32 $0x1B8B  }
0xa2: {  	_ =	swait.ge [sflag:s23], $0x1  }
0xa3: {  	[sflag:s23] =	ssyncset.done $0x0  }
0xa4: {  	[sflag:s23] =	ssyncadd.s32 $0xFFFFFFFF  }
0xa5: {  	s4 =	sld [smem:$0x0]  }
0xa6: {  	s5 =	sand.u32 $0xFFFFFFFE, s1  }
0xa7: {  	p0 =	sne.s32 s1, s5  }
0xa8: {  	s5 =	sshll.u32 @p0 s5, $0xE  }
0xa9: {  	s5 =	sadd.s32 @p0 $0x11B8D, s5;
	s6 =	sshll.u32 @p0 s4, $0x11  }
0xaa: {  	s5 =	sor.u32 @p0 s6, s5  }
0xab: {  	[sflag:s5] =	ssyncadd.remote.s32 @p0 $0x1;
	_ =	sdelay $0x1  }
0xac: {  	s5 =	simm.s32 @p0 $0x1B8D  }
0xad: {  	_ =	swait.eq @p0 [sflag:s5], $0x1  }
0xae: {  	[sflag:s5] =	ssyncadd.s32 @p0 $0xFFFFFFFF  }
0xaf: {  	s6 =	sshll.u32 @!p0 s1, $0xE  }
0xb0: {  	s6 =	sor.u32 @!p0 $0x4000, s6;
	s5 =	simm.s32 @!p0 $0x1B8D  }
0xb1: {  	s4 =	sshll.u32 @!p0 s4, $0x11;
	s6 =	sadd.s32 @!p0 $0x11B8D, s6;
	_ =	swait.eq @!p0 [sflag:s5], $0x1  }
0xb2: {  	s4 =	sor.u32 @!p0 s4, s6;
	[sflag:s5] =	ssyncadd.s32 @!p0 $0xFFFFFFFF  }
0xb3: {  	s25 =	simm.s32 $0x1B8E;
	s24 =	sld [smem:$0x3FFE];
	[sflag:s4] =	ssyncadd.remote.s32 @!p0 $0x1  }
0xb4: {  	s26 =	simm.s32 $execute0_lowered;
	[smem:$0x3FD2] =	sst s25  }
0xb5: {  	s5 =	sshll.u32 s26, $0x1;
	_ =	strace $0x80000049;
	[dreg:$0x1] =	wrdreg $0xFFFFFFFF  }
0xb6: {  	s28 =	simm.s32 $_size_execute0_lowered;
	s3 =	sadd.s32 s3, s5;
	[dreg:$0x0] =	wrdreg $0x0  }
0xb7: {  	s5 =	sshll.u32 s28, $0x1;
	[dreg:$0x2] =	wrdreg s3  }
0xb8: {  	[dreg:$0x3] =	wrdreg s5  }
0xb9: {  	[dreg:$0x4] =	wrdreg $0xC0  }
0xba: {  	_ =	task [dreg:s22], $0x5FFFF  }
0xbb: {  	[dreg:$0x1] =	wrdreg $0xFFFFFFFF  }
0xbc: {  	[dreg:$0x0] =	wrdreg $0x60  }
0xbd: {  	[dreg:$0x2] =	wrdreg s24  }
0xbe: {  	[dreg:$0x3] =	wrdreg $0xA  }
0xbf: {  	_ =	task.clear_ibuf [dreg:s22], $0x4FFFF;
	_ =	strace $0x90000049  }
0xc0: {  	s29 =	simm.s32 $0xA;
	_ =	strace $0x8000004B  }
0xc1: {  	_ =	swait.ge [sflag:s29], $0x1  }
0xc2: {  	[sflag:s29] =	ssyncadd.s32 $0xFFFFFFFF  }
0xc3: {  	_ =	strace $0x9000004B  }
0xc4: {  	_ =	sfence  }
0xc5: {  	s30 =	sld [smem:$0x0];
	_ =	sdelay $0x2  }
0xc6: {  	s31 =	sshll.u32 s1, $0xD;
	s1 =	sshrl.u32 s1, $0x2  }
0xc7: {  	s4 =	sand.u32 $0x4000, s31;
	s1 =	sadd.s32 s1, s30  }
0xc8: {  	s0 =	sor.u32 s4, s0;
	s1 =	sshll.u32 s1, $0x11  }
0xc9: {  	s0 =	sor.u32 s1, s0  }
0xca: {  	s0 =	sadd.s32 $0x8F2B, s0  }
0xcb: {  	[sflag:s0] =	ssyncadd.remote.s32 $0x1  }
0xcc: {  	_ =	sfence.sel $0xFFFF  }
0xcd: {  	[dreg:$0x0] =	wrdreg $0xFFFFFFFF;
	(pc) =	sbr.abs _section_cstart, $3  }
0xce: {  	[dreg:$0x1] =	wrdreg $0xFFFFFFFF  }
0xcf: {  	_ =	task.clear_ibuf [dreg:s22], $0x2FFFF;
	_ =	strace $0x9FFFFFFF  }
0xd0: {  	(tm) =	ssettm $0x7FFFFFFF  }
0xd1: {  	_ =	shalt  }
tec
execute0_lowered:
.L_overlay_start_1:
0x0: {  	(tag) =	ssettag $0x1  }
0x1: {  	s4 =	rddreg [dreg:$0x0]  }
0x2: {  	s0 =	rddreg [dreg:$0x1];
	s2 =	simm.s32 $0x0;
	s3 =	srdreg.scid  }
0x3: {  	s1 =	stileid.u32;
	s10 =	simm.s32 $0x0;
	[smem:$0x7FF] =	sst s2  }
0x4: {  	s5 =	sand.u32 $0x1, s3;
	s6 =	sshll.u32 s1, $0xD;
	s3 =	sadd.s32 $0x248A00, s4  }
0x5: {  	s8 =	sshll.u32 s1, $0x11;
	_ =	strace $0x8000004A;
	s7 =	sshll.u32 s5, $0xC  }
0x6: {  	s31 =	ssub.s32 $0x2, s5;
	s8 =	sadd.s32 s8, s4;
	s5 =	sshll.u32 s5, $0x10  }
0x7: {  	s6 =	sor.u32 s7, s6;
	s9 =	sshrl.u32 s31, $0x1;
	s5 =	sadd.s32 s5, s8  }
0x8: {  	s8 =	simm.s32 $0x80;
	s6 =	sshrl.u32 s6, $0x3;
	s7 =	ssub.s32 s31, s9  }
0x9: {  	s5 =	sadd.s32 $0x26CA00, s5;
	s9 =	simm.s32 $0x1;
	s6 =	sadd.s32 s6, s4  }
0xa: {  	s4 =	smax.u32 s7, $0x1;
	s7 =	simm.s32 $0x2;
	s6 =	sadd.s32 $0x268A00, s6  }
.LBB2_1:
0xb: {  	s11 =	sadd.s32 $0x0, s6  }
0xc: {  	[tilespmem:s2], [sflag:$0x2] =	stream.linear.gather [hbm4b:s11+s2], $0x80, $0x38;
	[tilespmem:$0x4080] =	vst v63  }
0xd: {  	_ =	swait.ge [sflag:s7], $0x80  }
0xe: {  	[sflag:s7] =	ssyncset.done $0x0  }
0xf: {  	[sflag:s7] =	ssyncadd.s32 $0xFFFFFF80  }
0x10: {  	[tilespmem:s8], [sflag:$0x1] =	stream.indirect.gather [hbm4b:s3+s8], $0x80, s2, s8, $0xb8;
	[tilespmem:$0x4080] =	vst v63  }
0x11: {  	_ =	swait.ge [sflag:s9], $0x4000  }
0x12: {  	[sflag:s9] =	ssyncset.done $0x0  }
0x13: {  	[sflag:s9] =	ssyncadd.s32 $0xFFFFC000  }
0x14: {  	[hbm4b:s5+s2] =	stream.linear.scatter [tilespmem:s8], [sflag:$0x2], $0x4000, $0x38;
	[tilespmem:$0x4080] =	vst v63  }
0x15: {  	s12 =	simm.s32 $0x10;
	_ =	swait.ge [sflag:s7], $0x4000  }
0x16: {  	s13 =	simm.s32 $0x20;
	s11 =	sadd.s32 $0x800, s5;
	[sflag:s7] =	ssyncset.done $0x0  }
.LBB2_2:
0x17: {  	s14 =	sadd.s32 s12, s6  }
0x18: {  	[sflag:s7] =	ssyncadd.s32 $0xFFFFC000;
	s12 =	smov.u32 s13;
	s15 =	sadd.s32 $0x10, s13  }
0x19: {  	[tilespmem:s2], [sflag:$0x2] =	stream.linear.gather [hbm4b:s14+s2], $0x80, $0x38;
	[tilespmem:$0x4080] =	vst v63  }
0x1a: {  	p0 =	sne.s32 s13, $0x1F0;
	_ =	swait.ge [sflag:s7], $0x80  }
0x1b: {  	[sflag:s7] =	ssyncset.done $0x0  }
0x1c: {  	[sflag:s7] =	ssyncadd.s32 $0xFFFFFF80  }
0x1d: {  	[tilespmem:s8], [sflag:$0x1] =	stream.indirect.gather [hbm4b:s3+s8], $0x80, s2, s8, $0xb8;
	[tilespmem:$0x4080] =	vst v63  }
0x1e: {  	_ =	swait.ge [sflag:s9], $0x4000  }
.Ltmp0:
0x1f: {  	[sflag:s9] =	ssyncset.done $0x0;
	(pc) =	sbr.rel @p0 .LBB2_2-.Ltmp0, $4  }
0x20: {  	[sflag:s9] =	ssyncadd.s32 $0xFFFFC000  }
0x21: {  	[hbm4b:s11+s2] =	stream.linear.scatter [tilespmem:s8], [sflag:$0x2], $0x4000, $0x38;
	[tilespmem:$0x4080] =	vst v63  }
0x22: {  	_ =	swait.ge [sflag:s7], $0x4000  }
0x23: {  	s13 =	smov.u32 s15;
	s11 =	sadd.s32 $0x800, s11;
	[sflag:s7] =	ssyncset.done $0x0  }
0x24: {  	s12 =	sadd.s32 s12, s6;
	[sflag:s7] =	ssyncadd.s32 $0xFFFFC000  }
0x25: {  	[tilespmem:s2], [sflag:$0x2] =	stream.linear.gather [hbm4b:s12+s2], $0x80, $0x38;
	[tilespmem:$0x4080] =	vst v63  }
0x26: {  	_ =	swait.ge [sflag:s7], $0x80  }
0x27: {  	[sflag:s7] =	ssyncset.done $0x0  }
0x28: {  	[sflag:s7] =	ssyncadd.s32 $0xFFFFFF80  }
0x29: {  	[tilespmem:s8], [sflag:$0x1] =	stream.indirect.gather [hbm4b:s3+s8], $0x80, s2, s8, $0xb8;
	[tilespmem:$0x4080] =	vst v63  }
0x2a: {  	s10 =	sadd.s32 $0x1, s10;
	_ =	swait.ge [sflag:s9], $0x4000  }
0x2b: {  	p0 =	sne.s32 s10, s4;
	[sflag:s9] =	ssyncset.done $0x0  }
.Ltmp1:
0x2c: {  	[sflag:s9] =	ssyncadd.s32 $0xFFFFC000;
	(pc) =	sbr.rel @p0 .LBB2_1-.Ltmp1, $4  }
0x2d: {  	[hbm4b:s11+s2] =	stream.linear.scatter [tilespmem:s8], [sflag:$0x2], $0x4000, $0x38;
	[tilespmem:$0x4080] =	vst v63  }
0x2e: {  	_ =	swait.ge [sflag:s7], $0x4000  }
0x2f: {  	[sflag:s7] =	ssyncset.done $0x0  }
0x30: {  	[sflag:s7] =	ssyncadd.s32 $0xFFFFC000  }
0x31: {  	_ =	sfence.sel $0x180000  }
0x32: {  	[bflag:$0x0] =	sbarrier.arrive $0xFFFF  }
0x33: {  	p0 =	sne.s32 s1, $0x0;
	_ =	strace $0x9000004A  }
0x34: {  	s0 =	sadd.s32 @!p0 $0x100000, s0;
	[bflag:$0x2] =	sbarrier.arrive $0xFFFF  }
0x35: {  	[sflag:s0] =	ssyncadd.tile.s32 @!p0 $0x1;
	_ =	shalt  }
.Lfunc_end2:
_tile_overlayer_lowered:
.L_overlay_start_2:
0x36: {  	(tag) =	ssettag $0x2  }
0x37: {  	s0 =	rddreg [dreg:$0x0];
	s2 =	stileid.u32  }
0x38: {  	s1 =	rddreg [dreg:$0x1];
	p0 =	sne.s32 s2, $0x0  }
0x39: {  	s3 =	rddreg [dreg:$0x2];
	[bflag:$0x3] =	sbarrier.arrive $0xFFFF;
	s2 =	simm.s32 @!p0 $0x1C02  }
0x3a: {  	[timem:s3], [sflag:s2] =	dma.local @!p0 [hbm:s0], s1  }
0x3b: {  	s0 =	simm.s32 @!p0 $0x2  }
0x3c: {  	_ =	swait.ge @!p0 [sflag:s0], s1  }
0x3d: {  	s1 =	ssub.s32 @!p0 $0x0, s1;
	[sflag:s0] =	ssyncset.done @!p0 $0x0  }
0x3e: {  	[sflag:s0] =	ssyncadd.s32 @!p0 s1  }
0x3f: {  	[bflag:$0x3] =	sbarrier.arrive $0xFFFF  }
0x40: {  	_ =	shalt  }

// kernel: kernel.26.cloned.1.call-start
scs
__scs_entry_jumppad:
0x0: {  	(pc) =	sbr.rel $0x88, $3  }
0x1: {  	(tag) =	ssettag $0x0;
	lr =	simm.s32 $0x1  }
0x2: {  	[smem:$0x3F96] =	sst lr;
	_ =	strace $0xD0000000  }
0x3: {  	_ = 	snop  }
0x4: {  	_ = 	snop  }
0x5: {  	_ = 	snop  }
0x6: {  	_ = 	snop  }
0x7: {  	_ = 	snop  }
__scs_overlays_trampoline_lowered:
0x8: {  	[smem:$0x3FA5] =	sst s0  }
0x9: {  	[smem:$0x3FA6] =	sst s1  }
0xa: {  	[smem:$0x3FA7] =	sst s2  }
0xb: {  	[smem:$0x3FA8] =	sst s3  }
0xc: {  	[smem:$0x3FA9] =	sst s4  }
0xd: {  	[smem:$0x3FAA] =	sst s5  }
0xe: {  	[smem:$0x3FAB] =	sst s6  }
0xf: {  	[smem:$0x3FAC] =	sst s7  }
0x10: {  	[smem:$0x3FAD] =	sst s8  }
0x11: {  	[smem:$0x3FAE] =	sst s9;
	s0 =	simm.s32 @!p0 $0x0  }
0x12: {  	s1 =	sld [smem:$0x3F94];
	s0 =	simm.s32 @p0 $0x1  }
0x13: {  	[smem:$0x3FAF] =	sst s0;
	s0 =	simm.s32 @!p1 $0x0  }
0x14: {  	s2 =	sld [smem:$0x3F93];
	s0 =	simm.s32 @p1 $0x1  }
0x15: {  	[smem:$0x3FB0] =	sst s0;
	s0 =	simm.s32 @!p2 $0x0  }
0x16: {  	s3 =	sld [smem:$0x3FDB];
	s0 =	simm.s32 @p2 $0x1  }
0x17: {  	s4 =	simm.s32 $0x1BF5;
	[smem:$0x3FB2] =	sst s0  }
0x18: {  	s0 =	sld [smem:$0x3F95];
	_ =	swait.ge [sflag:s4], $0x0  }
0x19: {  	s7 =	sld [smem:$0x3F96]  }
0x1a: {  	s8 =	sadd.s32 $0xFFFFE003, lr  }
0x1b: {  	s9 =	sadd.s32 $0xFFFFFEF7, lr;
	s5 =	simm.s32 $0xFFFFFFFF;
	p2 =	slt.u32 s8, $0xFFFFF086  }
0x1c: {  	p1 =	slt.u32 s9, $0xF7A;
	s5 =	simm.s32 @!p2 $0x0  }
0x1d: {  	s5 =	simm.s32 @p1 $0x1;
	p0 =	seq.s32 s7, s2  }
0x1e: {  	s7 =	smul.u32 @!p0 $0xF7A, s2;
	p2 =	seq.s32 @!p0 s5, $0x0  }
0x1f: {  	s9 =	smul.u32 $0xF7A, s1;
	s8 =	simm.s32 @!p0 $0x1BF5;
	p2 =	por !p2, p0  }
0x20: {  	[sflag:s8] =	ssyncset.s32 @!p0 $0xFFFFF086;
	s6 =	sadd.s32 @!p0 s3, s7;
	s7 =	simm.s32 @!p0 $0x108  }
0x21: {  	s3 =	sadd.s32 s3, s9;
	s6 =	sadd.s32 @!p0 $0x88, s6;
	s7 =	simm.s32 @p2 $0x1082  }
0x22: {  	[simem:s7], [sflag:s8] =	dma.local @!p0 [hbm:s6], $0xF7A  }
0x23: {  	s9 =	sor.u32 $0xD0000000, s2;
	s6 =	simm.s32 $0x108;
	_ =	swait.ge @!p0 [sflag:s8], $0x0  }
0x24: {  	s3 =	sadd.s32 $0x88, s3;
	s6 =	simm.s32 @!p1 $0x1082;
	[sflag:s4] =	ssyncset.s32 $0xFFFFF086  }
0x25: {  	[simem:s6], [sflag:s4] =	dma.local [hbm:s3], $0xF7A  }
0x26: {  	[smem:$0x3F96] =	sst s1;
	(tag) =	ssettag s2;
	_ =	strace s9  }
0x27: {  	s1 =	sld [smem:$0x3FA6]  }
0x28: {  	s2 =	sld [smem:$0x3FA7]  }
0x29: {  	s4 =	sld [smem:$0x3FA9]  }
0x2a: {  	p0 =	seq.s32 s5, $0x0;
	s5 =	sld [smem:$0x3FAA]  }
0x2b: {  	s6 =	sld [smem:$0x3FAB]  }
0x2c: {  	s7 =	sld [smem:$0x3FAC]  }
0x2d: {  	s3 =	simm.s32 $0x108;
	s8 =	sld [smem:$0x3FAD]  }
0x2e: {  	s3 =	simm.s32 @!p0 $0x1082;
	s9 =	sld [smem:$0x3FAE]  }
0x2f: {  	lr =	sadd.s32 s0, s3;
	s0 =	sld [smem:$0x3FA5]  }
0x30: {  	s3 =	sld [smem:$0x3FA8]  }
0x31: {  	[smem:$0x3FB1] =	sst s10  }
0x32: {  	s10 =	sld [smem:$0x3FAF];
	_ =	sdelay $0x3  }
0x33: {  	p0 =	seq.s32 s10, $0x1;
	s10 =	sld [smem:$0x3FB1];
	_ =	sdelay $0x3  }
0x34: {  	[smem:$0x3FB1] =	sst s10  }
0x35: {  	s10 =	sld [smem:$0x3FB0];
	_ =	sdelay $0x3  }
0x36: {  	p1 =	seq.s32 s10, $0x1;
	s10 =	sld [smem:$0x3FB1];
	_ =	sdelay $0x3  }
0x37: {  	[smem:$0x3FB1] =	sst s10  }
0x38: {  	s10 =	sld [smem:$0x3FB2]  }
0x39: {  	_ = 	snop;
	(pc) =	sbr.ind lr, $3  }
0x3a: {  	_ = 	snop  }
0x3b: {  	_ = 	snop  }
0x3c: {  	p2 =	seq.s32 s10, $0x1;
	s10 =	sld [smem:$0x3FB1]  }
0x3d: {  	_ =	shalt  }
0x3e: {  	_ =	shalt  }
0x3f: {  	_ =	shalt  }
0x40: {  	_ =	shalt  }
0x41: {  	_ =	shalt  }
0x42: {  	_ =	shalt  }
0x43: {  	_ =	shalt  }
0x44: {  	_ =	shalt  }
0x45: {  	_ =	shalt  }
0x46: {  	_ =	shalt  }
0x47: {  	_ =	shalt  }
0x48: {  	_ =	shalt  }
0x49: {  	_ =	shalt  }
0x4a: {  	_ =	shalt  }
0x4b: {  	_ =	shalt  }
0x4c: {  	_ =	shalt  }
0x4d: {  	_ =	shalt  }
0x4e: {  	_ =	shalt  }
0x4f: {  	_ =	shalt  }
0x50: {  	_ =	shalt  }
0x51: {  	_ =	shalt  }
0x52: {  	_ =	shalt  }
0x53: {  	_ =	shalt  }
0x54: {  	_ =	shalt  }
0x55: {  	_ =	shalt  }
0x56: {  	_ =	shalt  }
0x57: {  	_ =	shalt  }
0x58: {  	_ =	shalt  }
0x59: {  	_ =	shalt  }
0x5a: {  	_ =	shalt  }
0x5b: {  	_ =	shalt  }
0x5c: {  	_ =	shalt  }
0x5d: {  	_ =	shalt  }
0x5e: {  	_ =	shalt  }
0x5f: {  	_ =	shalt  }
0x60: {  	_ =	shalt  }
0x61: {  	_ =	shalt  }
0x62: {  	_ =	shalt  }
0x63: {  	_ =	shalt  }
0x64: {  	_ =	shalt  }
0x65: {  	_ =	shalt  }
0x66: {  	_ =	shalt  }
0x67: {  	_ =	shalt  }
0x68: {  	_ =	shalt  }
0x69: {  	_ =	shalt  }
0x6a: {  	_ =	shalt  }
0x6b: {  	_ =	shalt  }
0x6c: {  	_ =	shalt  }
0x6d: {  	_ =	shalt  }
0x6e: {  	_ =	shalt  }
0x6f: {  	_ =	shalt  }
0x70: {  	_ =	shalt  }
0x71: {  	_ =	shalt  }
0x72: {  	_ =	shalt  }
0x73: {  	_ =	shalt  }
0x74: {  	_ =	shalt  }
0x75: {  	_ =	shalt  }
0x76: {  	_ =	shalt  }
0x77: {  	_ =	shalt  }
0x78: {  	_ =	shalt  }
0x79: {  	_ =	shalt  }
0x7a: {  	_ =	shalt  }
0x7b: {  	_ =	shalt  }
0x7c: {  	_ =	shalt  }
0x7d: {  	_ =	shalt  }
0x7e: {  	_ =	shalt  }
0x7f: {  	_ =	shalt  }
0x80: {  	_ =	shalt  }
0x81: {  	_ =	shalt  }
0x82: {  	_ =	shalt  }
0x83: {  	_ =	shalt  }
0x84: {  	_ =	shalt  }
0x85: {  	_ =	shalt  }
0x86: {  	_ =	shalt  }
0x87: {  	_ =	shalt  }
.Lfunc_end0:
.L_simem_size_0:
called_computation.2_lowered:
.L_overlay_start_0:
0x88: {  	s2 =	sld [smem:$0x3FD9]  }
0x89: {  	s3 =	sld [smem:$0x3FFE];
	_ =	sdelay $0x1  }
0x8a: {  	s1 =	srdreg.scid  }
0x8b: {  	s0 =	sand.u32 $0x1, s1  }
0x8c: {  	s17 =	sshll.u32 s0, $0xA;
	s2 =	sadd.s32 s3, s2  }
0x8d: {  	s2 =	sadd.s32 s2, s17  }
0x8e: {  	[smem:$0x3FBD] =	sst s2  }
0x8f: {  	_ = 	snop  }
0x90: {  	(tm) =	ssettm $0x1  }
0x91: {  	s18 =	sld [smem:$0x3FFB];
	_ =	sdelay $0x3  }
0x92: {  	_ =	strace s18  }
0x93: {  	s2 =	sld [smem:$0x3FFC];
	_ =	sdelay $0x3  }
0x94: {  	_ =	strace s2  }
0x95: {  	s2 =	sld [smem:$0x3FFD];
	_ =	sdelay $0x3  }
0x96: {  	_ =	strace s2  }
0x97: {  	_ =	strace $0x8FFFFFFF  }
0x98: {  	s19 =	sld [smem:$0x3FDB];
	_ =	sdelay $0x1  }
0x99: {  	s20 =	simm.s32 $_scs_section_size  }
0x9a: {  	s4 =	simm.s32 $_size__tile_overlayer_lowered;
	s5 =	simm.s32 $_tile_overlayer_lowered  }
0x9b: {  	s6 =	simm.s32 $0x1BFF;
	s21 =	sshll.u32 s5, $0x1;
	s3 =	sadd.s32 s20, s19  }
0x9c: {  	s22 =	simm.s32 $0x0;
	s4 =	sshll.u32 s4, $0x1;
	s5 =	sadd.s32 s21, s3  }
0x9d: {  	[timem:s22], [sflag:s6] =	dma.local [hbm:s5], s4  }
0x9e: {  	_ =	swait.ge [sflag:s6], s4  }
0x9f: {  	s4 =	ssub.s32 $0x0, s4;
	[sflag:s6] =	ssyncset.done $0x0  }
0xa0: {  	[sflag:s6] =	ssyncadd.s32 s4;
	_ =	sdelay $0x1  }
0xa1: {  	s23 =	simm.s32 $0x1B8B  }
0xa2: {  	_ =	swait.ge [sflag:s23], $0x1  }
0xa3: {  	[sflag:s23] =	ssyncset.done $0x0  }
0xa4: {  	[sflag:s23] =	ssyncadd.s32 $0xFFFFFFFF  }
0xa5: {  	s4 =	sld [smem:$0x0]  }
0xa6: {  	s5 =	sand.u32 $0xFFFFFFFE, s1  }
0xa7: {  	p0 =	sne.s32 s1, s5  }
0xa8: {  	s5 =	sshll.u32 @p0 s5, $0xE  }
0xa9: {  	s5 =	sadd.s32 @p0 $0x11B8D, s5;
	s6 =	sshll.u32 @p0 s4, $0x11  }
0xaa: {  	s5 =	sor.u32 @p0 s6, s5  }
0xab: {  	[sflag:s5] =	ssyncadd.remote.s32 @p0 $0x1;
	_ =	sdelay $0x1  }
0xac: {  	s5 =	simm.s32 @p0 $0x1B8D  }
0xad: {  	_ =	swait.eq @p0 [sflag:s5], $0x1  }
0xae: {  	[sflag:s5] =	ssyncadd.s32 @p0 $0xFFFFFFFF  }
0xaf: {  	s6 =	sshll.u32 @!p0 s1, $0xE  }
0xb0: {  	s6 =	sor.u32 @!p0 $0x4000, s6;
	s5 =	simm.s32 @!p0 $0x1B8D  }
0xb1: {  	s4 =	sshll.u32 @!p0 s4, $0x11;
	s6 =	sadd.s32 @!p0 $0x11B8D, s6;
	_ =	swait.eq @!p0 [sflag:s5], $0x1  }
0xb2: {  	s4 =	sor.u32 @!p0 s4, s6;
	[sflag:s5] =	ssyncadd.s32 @!p0 $0xFFFFFFFF  }
0xb3: {  	s25 =	simm.s32 $0x1B8E;
	s24 =	sld [smem:$0x3FFE];
	[sflag:s4] =	ssyncadd.remote.s32 @!p0 $0x1  }
0xb4: {  	s26 =	simm.s32 $execute0_lowered;
	[smem:$0x3FD2] =	sst s25  }
0xb5: {  	s5 =	sshll.u32 s26, $0x1;
	_ =	strace $0x8000004C;
	[dreg:$0x1] =	wrdreg $0xFFFFFFFF  }
0xb6: {  	s28 =	simm.s32 $_size_execute0_lowered;
	s3 =	sadd.s32 s3, s5;
	[dreg:$0x0] =	wrdreg $0x0  }
0xb7: {  	s5 =	sshll.u32 s28, $0x1;
	[dreg:$0x2] =	wrdreg s3  }
0xb8: {  	[dreg:$0x3] =	wrdreg s5  }
0xb9: {  	[dreg:$0x4] =	wrdreg $0xC0  }
0xba: {  	_ =	task [dreg:s22], $0x5FFFF  }
0xbb: {  	[dreg:$0x1] =	wrdreg $0xFFFFFFFF  }
0xbc: {  	[dreg:$0x0] =	wrdreg $0x60  }
0xbd: {  	[dreg:$0x2] =	wrdreg s24  }
0xbe: {  	[dreg:$0x3] =	wrdreg $0xB  }
0xbf: {  	_ =	task.clear_ibuf [dreg:s22], $0x4FFFF;
	_ =	strace $0x9000004C  }
0xc0: {  	s29 =	simm.s32 $0xB;
	_ =	strace $0x8000004E  }
0xc1: {  	_ =	swait.ge [sflag:s29], $0x1  }
0xc2: {  	[sflag:s29] =	ssyncadd.s32 $0xFFFFFFFF  }
0xc3: {  	_ =	strace $0x9000004E  }
0xc4: {  	_ =	sfence  }
0xc5: {  	s30 =	sld [smem:$0x0];
	_ =	sdelay $0x2  }
0xc6: {  	s31 =	sshll.u32 s1, $0xD;
	s1 =	sshrl.u32 s1, $0x2  }
0xc7: {  	s4 =	sand.u32 $0x4000, s31;
	s1 =	sadd.s32 s1, s30  }
0xc8: {  	s0 =	sor.u32 s4, s0;
	s1 =	sshll.u32 s1, $0x11  }
0xc9: {  	s0 =	sor.u32 s1, s0  }
0xca: {  	s0 =	sadd.s32 $0x8F2B, s0  }
0xcb: {  	[sflag:s0] =	ssyncadd.remote.s32 $0x1  }
0xcc: {  	_ =	sfence.sel $0xFFFF  }
0xcd: {  	[dreg:$0x0] =	wrdreg $0xFFFFFFFF;
	(pc) =	sbr.abs _section_cstart, $3  }
0xce: {  	[dreg:$0x1] =	wrdreg $0xFFFFFFFF  }
0xcf: {  	_ =	task.clear_ibuf [dreg:s22], $0x2FFFF;
	_ =	strace $0x9FFFFFFF  }
0xd0: {  	(tm) =	ssettm $0x7FFFFFFF  }
0xd1: {  	_ =	shalt  }
tec
execute0_lowered:
.L_overlay_start_1:
0x0: {  	(tag) =	ssettag $0x1  }
0x1: {  	s4 =	rddreg [dreg:$0x0]  }
0x2: {  	s0 =	rddreg [dreg:$0x1];
	s2 =	simm.s32 $0x0;
	s3 =	srdreg.scid  }
0x3: {  	s1 =	stileid.u32;
	s10 =	simm.s32 $0x0;
	[smem:$0x7FF] =	sst s2  }
0x4: {  	s5 =	sand.u32 $0x1, s3;
	s6 =	sshll.u32 s1, $0xD;
	s3 =	sadd.s32 $0x4A00, s4  }
0x5: {  	s8 =	sshll.u32 s1, $0x11;
	_ =	strace $0x8000004D;
	s7 =	sshll.u32 s5, $0xC  }
0x6: {  	s31 =	ssub.s32 $0x2, s5;
	s8 =	sadd.s32 s8, s4;
	s5 =	sshll.u32 s5, $0x10  }
0x7: {  	s6 =	sor.u32 s7, s6;
	s9 =	sshrl.u32 s31, $0x1;
	s5 =	sadd.s32 s5, s8  }
0x8: {  	s8 =	simm.s32 $0x80;
	s6 =	sshrl.u32 s6, $0x3;
	s7 =	ssub.s32 s31, s9  }
0x9: {  	s5 =	sadd.s32 $0x470A00, s5;
	s9 =	simm.s32 $0x1;
	s6 =	sadd.s32 s6, s4  }
0xa: {  	s4 =	smax.u32 s7, $0x1;
	s7 =	simm.s32 $0x2;
	s6 =	sadd.s32 $0x46CA00, s6  }
.LBB2_1:
0xb: {  	s11 =	sadd.s32 $0x0, s6  }
0xc: {  	[tilespmem:s2], [sflag:$0x2] =	stream.linear.gather [hbm4b:s11+s2], $0x80, $0x38;
	[tilespmem:$0x4080] =	vst v63  }
0xd: {  	_ =	swait.ge [sflag:s7], $0x80  }
0xe: {  	[sflag:s7] =	ssyncset.done $0x0  }
0xf: {  	[sflag:s7] =	ssyncadd.s32 $0xFFFFFF80  }
0x10: {  	[tilespmem:s8], [sflag:$0x1] =	stream.indirect.gather [hbm4b:s3+s8], $0x80, s2, s8, $0xb8;
	[tilespmem:$0x4080] =	vst v63  }
0x11: {  	_ =	swait.ge [sflag:s9], $0x4000  }
0x12: {  	[sflag:s9] =	ssyncset.done $0x0  }
0x13: {  	[sflag:s9] =	ssyncadd.s32 $0xFFFFC000  }
0x14: {  	[hbm4b:s5+s2] =	stream.linear.scatter [tilespmem:s8], [sflag:$0x2], $0x4000, $0x38;
	[tilespmem:$0x4080] =	vst v63  }
0x15: {  	s12 =	simm.s32 $0x10;
	_ =	swait.ge [sflag:s7], $0x4000  }
0x16: {  	s13 =	simm.s32 $0x20;
	s11 =	sadd.s32 $0x800, s5;
	[sflag:s7] =	ssyncset.done $0x0  }
.LBB2_2:
0x17: {  	s14 =	sadd.s32 s12, s6  }
0x18: {  	[sflag:s7] =	ssyncadd.s32 $0xFFFFC000;
	s12 =	smov.u32 s13;
	s15 =	sadd.s32 $0x10, s13  }
0x19: {  	[tilespmem:s2], [sflag:$0x2] =	stream.linear.gather [hbm4b:s14+s2], $0x80, $0x38;
	[tilespmem:$0x4080] =	vst v63  }
0x1a: {  	p0 =	sne.s32 s13, $0x1F0;
	_ =	swait.ge [sflag:s7], $0x80  }
0x1b: {  	[sflag:s7] =	ssyncset.done $0x0  }
0x1c: {  	[sflag:s7] =	ssyncadd.s32 $0xFFFFFF80  }
0x1d: {  	[tilespmem:s8], [sflag:$0x1] =	stream.indirect.gather [hbm4b:s3+s8], $0x80, s2, s8, $0xb8;
	[tilespmem:$0x4080] =	vst v63  }
0x1e: {  	_ =	swait.ge [sflag:s9], $0x4000  }
.Ltmp0:
0x1f: {  	[sflag:s9] =	ssyncset.done $0x0;
	(pc) =	sbr.rel @p0 .LBB2_2-.Ltmp0, $4  }
0x20: {  	[sflag:s9] =	ssyncadd.s32 $0xFFFFC000  }
0x21: {  	[hbm4b:s11+s2] =	stream.linear.scatter [tilespmem:s8], [sflag:$0x2], $0x4000, $0x38;
	[tilespmem:$0x4080] =	vst v63  }
0x22: {  	_ =	swait.ge [sflag:s7], $0x4000  }
0x23: {  	s13 =	smov.u32 s15;
	s11 =	sadd.s32 $0x800, s11;
	[sflag:s7] =	ssyncset.done $0x0  }
0x24: {  	s12 =	sadd.s32 s12, s6;
	[sflag:s7] =	ssyncadd.s32 $0xFFFFC000  }
0x25: {  	[tilespmem:s2], [sflag:$0x2] =	stream.linear.gather [hbm4b:s12+s2], $0x80, $0x38;
	[tilespmem:$0x4080] =	vst v63  }
0x26: {  	_ =	swait.ge [sflag:s7], $0x80  }
0x27: {  	[sflag:s7] =	ssyncset.done $0x0  }
0x28: {  	[sflag:s7] =	ssyncadd.s32 $0xFFFFFF80  }
0x29: {  	[tilespmem:s8], [sflag:$0x1] =	stream.indirect.gather [hbm4b:s3+s8], $0x80, s2, s8, $0xb8;
	[tilespmem:$0x4080] =	vst v63  }
0x2a: {  	s10 =	sadd.s32 $0x1, s10;
	_ =	swait.ge [sflag:s9], $0x4000  }
0x2b: {  	p0 =	sne.s32 s10, s4;
	[sflag:s9] =	ssyncset.done $0x0  }
.Ltmp1:
0x2c: {  	[sflag:s9] =	ssyncadd.s32 $0xFFFFC000;
	(pc) =	sbr.rel @p0 .LBB2_1-.Ltmp1, $4  }
0x2d: {  	[hbm4b:s11+s2] =	stream.linear.scatter [tilespmem:s8], [sflag:$0x2], $0x4000, $0x38;
	[tilespmem:$0x4080] =	vst v63  }
0x2e: {  	_ =	swait.ge [sflag:s7], $0x4000  }
0x2f: {  	[sflag:s7] =	ssyncset.done $0x0  }
0x30: {  	[sflag:s7] =	ssyncadd.s32 $0xFFFFC000  }
0x31: {  	_ =	sfence.sel $0x180000  }
0x32: {  	[bflag:$0x0] =	sbarrier.arrive $0xFFFF  }
0x33: {  	p0 =	sne.s32 s1, $0x0;
	_ =	strace $0x9000004D  }
0x34: {  	s0 =	sadd.s32 @!p0 $0x100000, s0;
	[bflag:$0x2] =	sbarrier.arrive $0xFFFF  }
0x35: {  	[sflag:s0] =	ssyncadd.tile.s32 @!p0 $0x1;
	_ =	shalt  }
.Lfunc_end2:
_tile_overlayer_lowered:
.L_overlay_start_2:
0x36: {  	(tag) =	ssettag $0x2  }
0x37: {  	s0 =	rddreg [dreg:$0x0];
	s2 =	stileid.u32  }
0x38: {  	s1 =	rddreg [dreg:$0x1];
	p0 =	sne.s32 s2, $0x0  }
0x39: {  	s3 =	rddreg [dreg:$0x2];
	[bflag:$0x3] =	sbarrier.arrive $0xFFFF;
	s2 =	simm.s32 @!p0 $0x1C02  }
0x3a: {  	[timem:s3], [sflag:s2] =	dma.local @!p0 [hbm:s0], s1  }
0x3b: {  	s0 =	simm.s32 @!p0 $0x2  }
0x3c: {  	_ =	swait.ge @!p0 [sflag:s0], s1  }
0x3d: {  	s1 =	ssub.s32 @!p0 $0x0, s1;
	[sflag:s0] =	ssyncset.done @!p0 $0x0  }
0x3e: {  	[sflag:s0] =	ssyncadd.s32 @!p0 s1  }
0x3f: {  	[bflag:$0x3] =	sbarrier.arrive $0xFFFF  }
0x40: {  	_ =	shalt  }

// kernel: kernel.29.cloned.1.call-start
scs
__scs_entry_jumppad:
0x0: {  	(pc) =	sbr.rel $0x88, $3  }
0x1: {  	(tag) =	ssettag $0x0;
	lr =	simm.s32 $0x1  }
0x2: {  	[smem:$0x3F96] =	sst lr;
	_ =	strace $0xD0000000  }
0x3: {  	_ = 	snop  }
0x4: {  	_ = 	snop  }
0x5: {  	_ = 	snop  }
0x6: {  	_ = 	snop  }
0x7: {  	_ = 	snop  }
__scs_overlays_trampoline_lowered:
0x8: {  	[smem:$0x3FA5] =	sst s0  }
0x9: {  	[smem:$0x3FA6] =	sst s1  }
0xa: {  	[smem:$0x3FA7] =	sst s2  }
0xb: {  	[smem:$0x3FA8] =	sst s3  }
0xc: {  	[smem:$0x3FA9] =	sst s4  }
0xd: {  	[smem:$0x3FAA] =	sst s5  }
0xe: {  	[smem:$0x3FAB] =	sst s6  }
0xf: {  	[smem:$0x3FAC] =	sst s7  }
0x10: {  	[smem:$0x3FAD] =	sst s8  }
0x11: {  	[smem:$0x3FAE] =	sst s9;
	s0 =	simm.s32 @!p0 $0x0  }
0x12: {  	s1 =	sld [smem:$0x3F94];
	s0 =	simm.s32 @p0 $0x1  }
0x13: {  	[smem:$0x3FAF] =	sst s0;
	s0 =	simm.s32 @!p1 $0x0  }
0x14: {  	s2 =	sld [smem:$0x3F93];
	s0 =	simm.s32 @p1 $0x1  }
0x15: {  	[smem:$0x3FB0] =	sst s0;
	s0 =	simm.s32 @!p2 $0x0  }
0x16: {  	s3 =	sld [smem:$0x3FDB];
	s0 =	simm.s32 @p2 $0x1  }
0x17: {  	s4 =	simm.s32 $0x1BF5;
	[smem:$0x3FB2] =	sst s0  }
0x18: {  	s0 =	sld [smem:$0x3F95];
	_ =	swait.ge [sflag:s4], $0x0  }
0x19: {  	s7 =	sld [smem:$0x3F96]  }
0x1a: {  	s8 =	sadd.s32 $0xFFFFE003, lr  }
0x1b: {  	s9 =	sadd.s32 $0xFFFFFEF7, lr;
	s5 =	simm.s32 $0xFFFFFFFF;
	p2 =	slt.u32 s8, $0xFFFFF086  }
0x1c: {  	p1 =	slt.u32 s9, $0xF7A;
	s5 =	simm.s32 @!p2 $0x0  }
0x1d: {  	s5 =	simm.s32 @p1 $0x1;
	p0 =	seq.s32 s7, s2  }
0x1e: {  	s7 =	smul.u32 @!p0 $0xF7A, s2;
	p2 =	seq.s32 @!p0 s5, $0x0  }
0x1f: {  	s9 =	smul.u32 $0xF7A, s1;
	s8 =	simm.s32 @!p0 $0x1BF5;
	p2 =	por !p2, p0  }
0x20: {  	[sflag:s8] =	ssyncset.s32 @!p0 $0xFFFFF086;
	s6 =	sadd.s32 @!p0 s3, s7;
	s7 =	simm.s32 @!p0 $0x108  }
0x21: {  	s3 =	sadd.s32 s3, s9;
	s6 =	sadd.s32 @!p0 $0x88, s6;
	s7 =	simm.s32 @p2 $0x1082  }
0x22: {  	[simem:s7], [sflag:s8] =	dma.local @!p0 [hbm:s6], $0xF7A  }
0x23: {  	s9 =	sor.u32 $0xD0000000, s2;
	s6 =	simm.s32 $0x108;
	_ =	swait.ge @!p0 [sflag:s8], $0x0  }
0x24: {  	s3 =	sadd.s32 $0x88, s3;
	s6 =	simm.s32 @!p1 $0x1082;
	[sflag:s4] =	ssyncset.s32 $0xFFFFF086  }
0x25: {  	[simem:s6], [sflag:s4] =	dma.local [hbm:s3], $0xF7A  }
0x26: {  	[smem:$0x3F96] =	sst s1;
	(tag) =	ssettag s2;
	_ =	strace s9  }
0x27: {  	s1 =	sld [smem:$0x3FA6]  }
0x28: {  	s2 =	sld [smem:$0x3FA7]  }
0x29: {  	s4 =	sld [smem:$0x3FA9]  }
0x2a: {  	p0 =	seq.s32 s5, $0x0;
	s5 =	sld [smem:$0x3FAA]  }
0x2b: {  	s6 =	sld [smem:$0x3FAB]  }
0x2c: {  	s7 =	sld [smem:$0x3FAC]  }
0x2d: {  	s3 =	simm.s32 $0x108;
	s8 =	sld [smem:$0x3FAD]  }
0x2e: {  	s3 =	simm.s32 @!p0 $0x1082;
	s9 =	sld [smem:$0x3FAE]  }
0x2f: {  	lr =	sadd.s32 s0, s3;
	s0 =	sld [smem:$0x3FA5]  }
0x30: {  	s3 =	sld [smem:$0x3FA8]  }
0x31: {  	[smem:$0x3FB1] =	sst s10  }
0x32: {  	s10 =	sld [smem:$0x3FAF];
	_ =	sdelay $0x3  }
0x33: {  	p0 =	seq.s32 s10, $0x1;
	s10 =	sld [smem:$0x3FB1];
	_ =	sdelay $0x3  }
0x34: {  	[smem:$0x3FB1] =	sst s10  }
0x35: {  	s10 =	sld [smem:$0x3FB0];
	_ =	sdelay $0x3  }
0x36: {  	p1 =	seq.s32 s10, $0x1;
	s10 =	sld [smem:$0x3FB1];
	_ =	sdelay $0x3  }
0x37: {  	[smem:$0x3FB1] =	sst s10  }
0x38: {  	s10 =	sld [smem:$0x3FB2]  }
0x39: {  	_ = 	snop;
	(pc) =	sbr.ind lr, $3  }
0x3a: {  	_ = 	snop  }
0x3b: {  	_ = 	snop  }
0x3c: {  	p2 =	seq.s32 s10, $0x1;
	s10 =	sld [smem:$0x3FB1]  }
0x3d: {  	_ =	shalt  }
0x3e: {  	_ =	shalt  }
0x3f: {  	_ =	shalt  }
0x40: {  	_ =	shalt  }
0x41: {  	_ =	shalt  }
0x42: {  	_ =	shalt  }
0x43: {  	_ =	shalt  }
0x44: {  	_ =	shalt  }
0x45: {  	_ =	shalt  }
0x46: {  	_ =	shalt  }
0x47: {  	_ =	shalt  }
0x48: {  	_ =	shalt  }
0x49: {  	_ =	shalt  }
0x4a: {  	_ =	shalt  }
0x4b: {  	_ =	shalt  }
0x4c: {  	_ =	shalt  }
0x4d: {  	_ =	shalt  }
0x4e: {  	_ =	shalt  }
0x4f: {  	_ =	shalt  }
0x50: {  	_ =	shalt  }
0x51: {  	_ =	shalt  }
0x52: {  	_ =	shalt  }
0x53: {  	_ =	shalt  }
0x54: {  	_ =	shalt  }
0x55: {  	_ =	shalt  }
0x56: {  	_ =	shalt  }
0x57: {  	_ =	shalt  }
0x58: {  	_ =	shalt  }
0x59: {  	_ =	shalt  }
0x5a: {  	_ =	shalt  }
0x5b: {  	_ =	shalt  }
0x5c: {  	_ =	shalt  }
0x5d: {  	_ =	shalt  }
0x5e: {  	_ =	shalt  }
0x5f: {  	_ =	shalt  }
0x60: {  	_ =	shalt  }
0x61: {  	_ =	shalt  }
0x62: {  	_ =	shalt  }
0x63: {  	_ =	shalt  }
0x64: {  	_ =	shalt  }
0x65: {  	_ =	shalt  }
0x66: {  	_ =	shalt  }
0x67: {  	_ =	shalt  }
0x68: {  	_ =	shalt  }
0x69: {  	_ =	shalt  }
0x6a: {  	_ =	shalt  }
0x6b: {  	_ =	shalt  }
0x6c: {  	_ =	shalt  }
0x6d: {  	_ =	shalt  }
0x6e: {  	_ =	shalt  }
0x6f: {  	_ =	shalt  }
0x70: {  	_ =	shalt  }
0x71: {  	_ =	shalt  }
0x72: {  	_ =	shalt  }
0x73: {  	_ =	shalt  }
0x74: {  	_ =	shalt  }
0x75: {  	_ =	shalt  }
0x76: {  	_ =	shalt  }
0x77: {  	_ =	shalt  }
0x78: {  	_ =	shalt  }
0x79: {  	_ =	shalt  }
0x7a: {  	_ =	shalt  }
0x7b: {  	_ =	shalt  }
0x7c: {  	_ =	shalt  }
0x7d: {  	_ =	shalt  }
0x7e: {  	_ =	shalt  }
0x7f: {  	_ =	shalt  }
0x80: {  	_ =	shalt  }
0x81: {  	_ =	shalt  }
0x82: {  	_ =	shalt  }
0x83: {  	_ =	shalt  }
0x84: {  	_ =	shalt  }
0x85: {  	_ =	shalt  }
0x86: {  	_ =	shalt  }
0x87: {  	_ =	shalt  }
.Lfunc_end0:
.L_simem_size_0:
called_computation.3_lowered:
.L_overlay_start_0:
0x88: {  	s2 =	sld [smem:$0x3FD9]  }
0x89: {  	s3 =	sld [smem:$0x3FFE];
	_ =	sdelay $0x1  }
0x8a: {  	s1 =	srdreg.scid  }
0x8b: {  	s0 =	sand.u32 $0x1, s1  }
0x8c: {  	s17 =	sshll.u32 s0, $0xA;
	s2 =	sadd.s32 s3, s2  }
0x8d: {  	s2 =	sadd.s32 s2, s17  }
0x8e: {  	[smem:$0x3FBD] =	sst s2  }
0x8f: {  	_ = 	snop  }
0x90: {  	s18 =	sld [smem:$0x3FD0];
	(tm) =	ssettm $0x1  }
0x91: {  	s19 =	sld [smem:$0x3FFB];
	_ =	sdelay $0x3  }
0x92: {  	_ =	strace s19  }
0x93: {  	s2 =	sld [smem:$0x3FFC];
	_ =	sdelay $0x3  }
0x94: {  	_ =	strace s2  }
0x95: {  	s2 =	sld [smem:$0x3FFD];
	_ =	sdelay $0x3  }
0x96: {  	_ =	strace s2  }
0x97: {  	_ =	strace $0x8FFFFFFF  }
0x98: {  	s20 =	sld [smem:$0x3FDB];
	_ =	sdelay $0x1  }
0x99: {  	s4 =	simm.s32 $_scs_section_size  }
0x9a: {  	s5 =	simm.s32 $_size__tile_overlayer_lowered;
	s6 =	simm.s32 $_tile_overlayer_lowered  }
0x9b: {  	s7 =	simm.s32 $0x1BFF;
	s21 =	sshll.u32 s6, $0x1;
	s4 =	sadd.s32 s4, s20  }
0x9c: {  	s22 =	simm.s32 $0x0;
	s5 =	sshll.u32 s5, $0x1;
	s6 =	sadd.s32 s21, s4  }
0x9d: {  	[timem:s22], [sflag:s7] =	dma.local [hbm:s6], s5  }
0x9e: {  	_ =	swait.ge [sflag:s7], s5  }
0x9f: {  	s5 =	ssub.s32 $0x0, s5;
	[sflag:s7] =	ssyncset.done $0x0  }
0xa0: {  	[sflag:s7] =	ssyncadd.s32 s5;
	_ =	sdelay $0x1  }
0xa1: {  	s23 =	simm.s32 $0x1B8B  }
0xa2: {  	_ =	swait.ge [sflag:s23], $0x1  }
0xa3: {  	[sflag:s23] =	ssyncset.done $0x0  }
0xa4: {  	[sflag:s23] =	ssyncadd.s32 $0xFFFFFFFF  }
0xa5: {  	s5 =	sld [smem:$0x0]  }
0xa6: {  	s6 =	sand.u32 $0xFFFFFFFE, s1  }
0xa7: {  	p0 =	sne.s32 s1, s6  }
0xa8: {  	s6 =	sshll.u32 @p0 s6, $0xE  }
0xa9: {  	s6 =	sadd.s32 @p0 $0x11B8D, s6;
	s7 =	sshll.u32 @p0 s5, $0x11  }
0xaa: {  	s6 =	sor.u32 @p0 s7, s6  }
0xab: {  	[sflag:s6] =	ssyncadd.remote.s32 @p0 $0x1;
	_ =	sdelay $0x1  }
0xac: {  	s6 =	simm.s32 @p0 $0x1B8D  }
0xad: {  	_ =	swait.eq @p0 [sflag:s6], $0x1  }
0xae: {  	[sflag:s6] =	ssyncadd.s32 @p0 $0xFFFFFFFF  }
0xaf: {  	s7 =	sshll.u32 @!p0 s1, $0xE  }
0xb0: {  	s7 =	sor.u32 @!p0 $0x4000, s7;
	s6 =	simm.s32 @!p0 $0x1B8D  }
0xb1: {  	s5 =	sshll.u32 @!p0 s5, $0x11;
	s7 =	sadd.s32 @!p0 $0x11B8D, s7;
	_ =	swait.eq @!p0 [sflag:s6], $0x1  }
0xb2: {  	s5 =	sor.u32 @!p0 s5, s7;
	[sflag:s6] =	ssyncadd.s32 @!p0 $0xFFFFFFFF  }
0xb3: {  	s25 =	simm.s32 $0x1B8E;
	s24 =	sld [smem:$0x3FFE];
	[sflag:s5] =	ssyncadd.remote.s32 @!p0 $0x1  }
0xb4: {  	s26 =	simm.s32 $execute0_lowered;
	[smem:$0x3FD2] =	sst s25  }
0xb5: {  	s6 =	sshll.u32 s26, $0x1;
	_ =	strace $0x8000004F;
	[dreg:$0x1] =	wrdreg $0xFFFFFFFF  }
0xb6: {  	s28 =	simm.s32 $_size_execute0_lowered;
	s4 =	sadd.s32 s4, s6;
	[dreg:$0x0] =	wrdreg $0x0  }
0xb7: {  	s6 =	sshll.u32 s28, $0x1;
	[dreg:$0x2] =	wrdreg s4  }
0xb8: {  	[dreg:$0x3] =	wrdreg s6  }
0xb9: {  	[dreg:$0x4] =	wrdreg $0xC0  }
0xba: {  	_ =	task [dreg:s22], $0x5FFFF  }
0xbb: {  	[dreg:$0x1] =	wrdreg $0xFFFFFFFF  }
0xbc: {  	[dreg:$0x0] =	wrdreg $0x60  }
0xbd: {  	[dreg:$0x2] =	wrdreg s18  }
0xbe: {  	[dreg:$0x3] =	wrdreg s24  }
0xbf: {  	[dreg:$0x4] =	wrdreg $0xC  }
0xc0: {  	_ =	task.clear_ibuf [dreg:s22], $0x5FFFF;
	_ =	strace $0x9000004F  }
0xc1: {  	s29 =	simm.s32 $0xC;
	_ =	strace $0x80000051  }
0xc2: {  	_ =	swait.ge [sflag:s29], $0x1  }
0xc3: {  	[sflag:s29] =	ssyncadd.s32 $0xFFFFFFFF  }
0xc4: {  	_ =	strace $0x90000051  }
0xc5: {  	_ =	sfence  }
0xc6: {  	s30 =	sld [smem:$0x0];
	_ =	sdelay $0x2  }
0xc7: {  	s31 =	sshll.u32 s1, $0xD;
	s1 =	sshrl.u32 s1, $0x2  }
0xc8: {  	s4 =	sand.u32 $0x4000, s31;
	s1 =	sadd.s32 s1, s30  }
0xc9: {  	s0 =	sor.u32 s4, s0;
	s1 =	sshll.u32 s1, $0x11  }
0xca: {  	s0 =	sor.u32 s1, s0  }
0xcb: {  	s0 =	sadd.s32 $0x8F2B, s0  }
0xcc: {  	[sflag:s0] =	ssyncadd.remote.s32 $0x1  }
0xcd: {  	_ =	sfence.sel $0xFFFF  }
0xce: {  	[dreg:$0x0] =	wrdreg $0xFFFFFFFF;
	(pc) =	sbr.abs _section_cstart, $3  }
0xcf: {  	[dreg:$0x1] =	wrdreg $0xFFFFFFFF  }
0xd0: {  	_ =	task.clear_ibuf [dreg:s22], $0x2FFFF;
	_ =	strace $0x9FFFFFFF  }
0xd1: {  	(tm) =	ssettm $0x7FFFFFFF  }
tec
execute0_lowered:
.L_overlay_start_1:
0x0: {  	(tag) =	ssettag $0x1  }
0x1: {  	s1 =	rddreg [dreg:$0x0]  }
0x2: {  	s4 =	rddreg [dreg:$0x1]  }
0x3: {  	s0 =	rddreg [dreg:$0x2];
	s5 =	srdreg.scid  }
0x4: {  	s3 =	simm.s32 $0x0;
	s2 =	stileid.u32;
	s10 =	simm.s32 $0x0  }
0x5: {  	s5 =	sand.u32 $0x1, s5;
	[smem:$0x7FF] =	sst s3;
	s6 =	sshll.u32 s2, $0xD  }
0x6: {  	s8 =	sshll.u32 s2, $0x11;
	s7 =	sshll.u32 s5, $0xC;
	_ =	strace $0x80000050  }
0x7: {  	s31 =	ssub.s32 $0x2, s5;
	s8 =	sadd.s32 s8, s4;
	s5 =	sshll.u32 s5, $0x10  }
0x8: {  	s6 =	sor.u32 s7, s6;
	s9 =	sshrl.u32 s31, $0x1;
	s5 =	sadd.s32 s5, s8  }
0x9: {  	s8 =	simm.s32 $0x80;
	s6 =	sshrl.u32 s6, $0x3;
	s7 =	ssub.s32 s31, s9  }
0xa: {  	s5 =	sadd.s32 $0x674A00, s5;
	s9 =	simm.s32 $0x1;
	s6 =	sadd.s32 s6, s4  }
0xb: {  	s4 =	smax.u32 s7, $0x1;
	s7 =	simm.s32 $0x2;
	s6 =	sadd.s32 $0x670A00, s6  }
.LBB2_1:
0xc: {  	s11 =	sadd.s32 $0x0, s6  }
0xd: {  	[tilespmem:s3], [sflag:$0x2] =	stream.linear.gather [hbm4b:s11+s3], $0x80, $0x38;
	[tilespmem:$0x4080] =	vst v63  }
0xe: {  	_ =	swait.ge [sflag:s7], $0x80  }
0xf: {  	[sflag:s7] =	ssyncset.done $0x0  }
0x10: {  	[sflag:s7] =	ssyncadd.s32 $0xFFFFFF80  }
0x11: {  	[tilespmem:s8], [sflag:$0x1] =	stream.indirect.gather [hbm4b:s1+s8], $0x80, s3, s8, $0xb8;
	[tilespmem:$0x4080] =	vst v63  }
0x12: {  	_ =	swait.ge [sflag:s9], $0x4000  }
0x13: {  	[sflag:s9] =	ssyncset.done $0x0  }
0x14: {  	[sflag:s9] =	ssyncadd.s32 $0xFFFFC000  }
0x15: {  	[hbm4b:s5+s3] =	stream.linear.scatter [tilespmem:s8], [sflag:$0x2], $0x4000, $0x38;
	[tilespmem:$0x4080] =	vst v63  }
0x16: {  	s12 =	simm.s32 $0x10;
	_ =	swait.ge [sflag:s7], $0x4000  }
0x17: {  	s13 =	simm.s32 $0x20;
	s11 =	sadd.s32 $0x800, s5;
	[sflag:s7] =	ssyncset.done $0x0  }
.LBB2_2:
0x18: {  	s14 =	sadd.s32 s12, s6  }
0x19: {  	[sflag:s7] =	ssyncadd.s32 $0xFFFFC000;
	s12 =	smov.u32 s13;
	s15 =	sadd.s32 $0x10, s13  }
0x1a: {  	[tilespmem:s3], [sflag:$0x2] =	stream.linear.gather [hbm4b:s14+s3], $0x80, $0x38;
	[tilespmem:$0x4080] =	vst v63  }
0x1b: {  	p0 =	sne.s32 s13, $0x1F0;
	_ =	swait.ge [sflag:s7], $0x80  }
0x1c: {  	[sflag:s7] =	ssyncset.done $0x0  }
0x1d: {  	[sflag:s7] =	ssyncadd.s32 $0xFFFFFF80  }
0x1e: {  	[tilespmem:s8], [sflag:$0x1] =	stream.indirect.gather [hbm4b:s1+s8], $0x80, s3, s8, $0xb8;
	[tilespmem:$0x4080] =	vst v63  }
0x1f: {  	_ =	swait.ge [sflag:s9], $0x4000  }
.Ltmp0:
0x20: {  	[sflag:s9] =	ssyncset.done $0x0;
	(pc) =	sbr.rel @p0 .LBB2_2-.Ltmp0, $4  }
0x21: {  	[sflag:s9] =	ssyncadd.s32 $0xFFFFC000  }
0x22: {  	[hbm4b:s11+s3] =	stream.linear.scatter [tilespmem:s8], [sflag:$0x2], $0x4000, $0x38;
	[tilespmem:$0x4080] =	vst v63  }
0x23: {  	_ =	swait.ge [sflag:s7], $0x4000  }
0x24: {  	s13 =	smov.u32 s15;
	s11 =	sadd.s32 $0x800, s11;
	[sflag:s7] =	ssyncset.done $0x0  }
0x25: {  	s12 =	sadd.s32 s12, s6;
	[sflag:s7] =	ssyncadd.s32 $0xFFFFC000  }
0x26: {  	[tilespmem:s3], [sflag:$0x2] =	stream.linear.gather [hbm4b:s12+s3], $0x80, $0x38;
	[tilespmem:$0x4080] =	vst v63  }
0x27: {  	_ =	swait.ge [sflag:s7], $0x80  }
0x28: {  	[sflag:s7] =	ssyncset.done $0x0  }
0x29: {  	[sflag:s7] =	ssyncadd.s32 $0xFFFFFF80  }
0x2a: {  	[tilespmem:s8], [sflag:$0x1] =	stream.indirect.gather [hbm4b:s1+s8], $0x80, s3, s8, $0xb8;
	[tilespmem:$0x4080] =	vst v63  }
0x2b: {  	s10 =	sadd.s32 $0x1, s10;
	_ =	swait.ge [sflag:s9], $0x4000  }
0x2c: {  	p0 =	sne.s32 s10, s4;
	[sflag:s9] =	ssyncset.done $0x0  }
.Ltmp1:
0x2d: {  	[sflag:s9] =	ssyncadd.s32 $0xFFFFC000;
	(pc) =	sbr.rel @p0 .LBB2_1-.Ltmp1, $4  }
0x2e: {  	[hbm4b:s11+s3] =	stream.linear.scatter [tilespmem:s8], [sflag:$0x2], $0x4000, $0x38;
	[tilespmem:$0x4080] =	vst v63  }
0x2f: {  	_ =	swait.ge [sflag:s7], $0x4000  }
0x30: {  	[sflag:s7] =	ssyncset.done $0x0  }
0x31: {  	[sflag:s7] =	ssyncadd.s32 $0xFFFFC000  }
0x32: {  	_ =	sfence.sel $0x180000  }
0x33: {  	[bflag:$0x0] =	sbarrier.arrive $0xFFFF  }
0x34: {  	p0 =	sne.s32 s2, $0x0;
	_ =	strace $0x90000050  }
0x35: {  	s0 =	sadd.s32 @!p0 $0x100000, s0;
	[bflag:$0x2] =	sbarrier.arrive $0xFFFF  }
0x36: {  	[sflag:s0] =	ssyncadd.tile.s32 @!p0 $0x1;
	_ =	shalt  }
.Lfunc_end2:
_tile_overlayer_lowered:
.L_overlay_start_2:
0x37: {  	(tag) =	ssettag $0x2  }
0x38: {  	s0 =	rddreg [dreg:$0x0];
	s2 =	stileid.u32  }
0x39: {  	s1 =	rddreg [dreg:$0x1];
	p0 =	sne.s32 s2, $0x0  }
0x3a: {  	s3 =	rddreg [dreg:$0x2];
	[bflag:$0x3] =	sbarrier.arrive $0xFFFF;
	s2 =	simm.s32 @!p0 $0x1C02  }
0x3b: {  	[timem:s3], [sflag:s2] =	dma.local @!p0 [hbm:s0], s1  }
0x3c: {  	s0 =	simm.s32 @!p0 $0x2  }
0x3d: {  	_ =	swait.ge @!p0 [sflag:s0], s1  }
0x3e: {  	s1 =	ssub.s32 @!p0 $0x0, s1;
	[sflag:s0] =	ssyncset.done @!p0 $0x0  }
0x3f: {  	[sflag:s0] =	ssyncadd.s32 @!p0 s1  }
0x40: {  	[bflag:$0x3] =	sbarrier.arrive $0xFFFF  }
0x41: {  	_ =	shalt  }

</sc_bundles>
